<compile_context>
chip_gen: v7x
topology: tpu7x:2x2x1
jax: 0.10.2.dev20260603
libtpu: 0.0.44.dev20260713+nightly
codegen_flags: <defaults>
</compile_context>

<pallas_src>
import functools

import jax
import jax.numpy as jnp
from jax import lax
from jax.experimental import pallas as pl
from jax.experimental.pallas import tpu as pltpu
from jax.experimental.pallas import tpu_sc as plsc

_VOCAB = 100000
_D = 128
_B = 4096
_H = 50
_TOTAL = _B * _H
_NW = 32
_B_PER_W = _TOTAL // _NW
_CHUNK = 128
_NCHUNK = _B_PER_W // _CHUNK
_NBUF = 5
_LOOK = 2
_ROUNDS = _NCHUNK // _NBUF


def _emb_body(idx_hbm, table_hbm, out_hbm, idx_v, *scr):
    bufs = scr[:_NBUF]
    gsems = scr[_NBUF:2 * _NBUF]
    wsems = scr[2 * _NBUF:3 * _NBUF]
    info = plsc.get_sparse_core_info()
    wid = lax.axis_index("s") * info.num_cores + lax.axis_index("c")
    base = wid * _B_PER_W
    pltpu.sync_copy(idx_hbm.at[wid], idx_v)

    def out_slice(c):
        j0 = base + c * _CHUNK
        return out_hbm.at[j0 // _B, pl.ds(j0 % _B, _CHUNK)]

    def gather(c, b):
        pass

    def gather_wait(c, b):
        pass

    def write(c, b):
        pltpu.async_copy(bufs[b], out_slice(c), wsems[b])

    def write_wait(c, b):
        pltpu.make_async_copy(bufs[b], out_slice(c), wsems[b]).wait()

    for b in range(_LOOK):
        gather(b, b)

    for b in range(_NBUF):
        s = (b + _LOOK) % _NBUF
        if b >= _NBUF - _LOOK:
            write_wait(b - (_NBUF - _LOOK), s)
        gather(b + _LOOK, s)
        gather_wait(b, b)
        write(b, b)

    def round_body(r, carry):
        c0 = r * _NBUF
        for b in range(_NBUF):
            c = c0 + b
            s = (b + _LOOK) % _NBUF
            write_wait(c - (_NBUF - _LOOK), s)
            gather(c + _LOOK, s)
            gather_wait(c, b)
            write(c, b)
        return carry

    lax.fori_loop(1, _ROUNDS - 1, round_body, 0)

    c0 = (_ROUNDS - 1) * _NBUF
    for b in range(_NBUF):
        c = c0 + b
        s = (b + _LOOK) % _NBUF
        write_wait(c - (_NBUF - _LOOK), s)
        if b < _NBUF - _LOOK:
            gather(c + _LOOK, s)
        gather_wait(c, b)
        write(c, b)

    for b in range(_LOOK, _NBUF):
        write_wait(c0 + b, b)


@jax.jit
def _emb(idx, table):
    k = functools.partial(
        pl.kernel,
        mesh=plsc.VectorSubcoreMesh(core_axis_name="c", subcore_axis_name="s"),
        out_type=jax.ShapeDtypeStruct((_H, _B, _D), jnp.float32),
        scratch_types=(
            [pltpu.VMEM((_NCHUNK, _CHUNK), jnp.int32)]
            + [pltpu.VMEM((_CHUNK, _D), jnp.float32) for _ in range(_NBUF)]
            + [pltpu.SemaphoreType.DMA for _ in range(2 * _NBUF)]
        ),
    )(_emb_body)
    return k(idx, table)


def kernel(input_tensor, table):
    idx = input_tensor.T.reshape(_NW, _NCHUNK, _CHUNK).astype(jnp.int32)
    out_t = _emb(idx, table)
    return jnp.transpose(out_t, (1, 0, 2))

# --- scband reference (transcript-rebuilt; emitter-appended) ---
"""Pipeline reference for scband-word-embeddings-31963146617533 (READ-ONLY COPY).

The authoritative reference and input builder live on the scoring server;
editing this copy changes nothing except your own understanding.
"""

import jax, jax.numpy as jnp
import numpy as np

VOCAB = 100000
EMBED_DIM = 128
BATCH = 4096
HIST = 50

def setup_inputs(seed: int = 0) -> dict:
    key = jax.random.key(seed)
    k_idx, k_tab = jax.random.split(key)
    input_tensor = jax.random.randint(k_idx, (BATCH, HIST), 0, VOCAB, dtype=jnp.int64)
    table = jax.random.normal(k_tab, (VOCAB, EMBED_DIM), dtype=jnp.float32)
    return {"input_tensor": input_tensor, "table": table}

def reference(input_tensor, table):
    # nn.Embedding: row gather from the embedding table
    return jnp.take(table, input_tensor, axis=0)

if __name__ == "__main__":
    import jax
    _d = setup_inputs()
    print(jax.jit(kernel)(*tuple(_d.values())))

</pallas_src>

<mosaic_0001>
#map = affine_map<(d0, d1) -> (0, 0, 0)>
#map1 = affine_map<(d0, d1) -> (0, 0)>
module attributes {stable_mosaic.version = 14 : i64} {
  func.func @_emb_body(%arg0: i32, %arg1: i32, %arg2: memref<32x50x128xi32, #tpu.memory_space<hbm>>, %arg3: memref<100000x128xf32, #tpu.memory_space<hbm>>, %arg4: memref<50x4096x128xf32, #tpu.memory_space<hbm>>, %arg5: memref<50x128xi32, #tpu.memory_space<vmem>>, %arg6: memref<128x128xf32, #tpu.memory_space<vmem>>, %arg7: memref<128x128xf32, #tpu.memory_space<vmem>>, %arg8: memref<128x128xf32, #tpu.memory_space<vmem>>, %arg9: memref<128x128xf32, #tpu.memory_space<vmem>>, %arg10: memref<128x128xf32, #tpu.memory_space<vmem>>, %arg11: memref<!tpu.dma_semaphore, #tpu.memory_space<semaphore_mem>>, %arg12: memref<!tpu.dma_semaphore, #tpu.memory_space<semaphore_mem>>, %arg13: memref<!tpu.dma_semaphore, #tpu.memory_space<semaphore_mem>>, %arg14: memref<!tpu.dma_semaphore, #tpu.memory_space<semaphore_mem>>, %arg15: memref<!tpu.dma_semaphore, #tpu.memory_space<semaphore_mem>>, %arg16: memref<!tpu.dma_semaphore, #tpu.memory_space<semaphore_mem>>, %arg17: memref<!tpu.dma_semaphore, #tpu.memory_space<semaphore_mem>>, %arg18: memref<!tpu.dma_semaphore, #tpu.memory_space<semaphore_mem>>, %arg19: memref<!tpu.dma_semaphore, #tpu.memory_space<semaphore_mem>>, %arg20: memref<!tpu.dma_semaphore, #tpu.memory_space<semaphore_mem>>) attributes {dimension_semantics = [#tpu.dimension_semantics<core_parallel>, #tpu.dimension_semantics<subcore_parallel>], iteration_bounds = array<i64: 2, 16>, scalar_prefetch = 0 : i64, scratch_operands = 16 : i64, tpu.core_type = #tpu.core_type<sc_vector_subcore>, window_params = [{transform_indices = #map}, {transform_indices = #map1}, {transform_indices = #map}]} {
    %mul3A = arith.constant 2 : i32
    %mul3A_0 = arith.muli %arg1, %mul3A : i32
    %add3A = arith.addi %mul3A_0, %arg0 : i32
    %mul3A_1 = arith.constant 6400 : i32
    %mul3A_2 = arith.muli %add3A, %mul3A_1 : i32
    "tpu.region"() ({
      %run_scoped3A = tpu.sem_alloc : memref<!tpu.dma_semaphore, #tpu.memory_space<semaphore_mem>>
      %dma_start3A_956 = arith.constant 0 : i32
      %dma_start3A_957 = arith.constant 0 : i32
      %dma_start3A_958 = tpu.memref_slice %arg2[%add3A, %dma_start3A_956, %dma_start3A_957] : memref<32x50x128xi32, #tpu.memory_space<hbm>> -> memref<1x50x128xi32, #tpu.memory_space<hbm>>
      %dma_start3A_959 = tpu.memref_squeeze %dma_start3A_958 : memref<1x50x128xi32, #tpu.memory_space<hbm>> -> memref<50x128xi32, #tpu.memory_space<hbm>>
      %dma_start3A_960 = arith.constant 0 : i32
      %dma_start3A_961 = arith.constant 0 : i32
      %dma_start3A_962 = tpu.memref_slice %arg2[%add3A, %dma_start3A_960, %dma_start3A_961] : memref<32x50x128xi32, #tpu.memory_space<hbm>> -> memref<1x50x128xi32, #tpu.memory_space<hbm>>
      %dma_start3A_963 = tpu.memref_squeeze %dma_start3A_962 : memref<1x50x128xi32, #tpu.memory_space<hbm>> -> memref<50x128xi32, #tpu.memory_space<hbm>>
      tpu.enqueue_dma source(%dma_start3A_963 : memref<50x128xi32, #tpu.memory_space<hbm>>) target(%arg5 : memref<50x128xi32, #tpu.memory_space<vmem>>) target_semaphore(%run_scoped3A : memref<!tpu.dma_semaphore, #tpu.memory_space<semaphore_mem>>)
      %dma_wait3A_964 = arith.constant 0 : i32
      %dma_wait3A_965 = arith.constant 0 : i32
      %dma_wait3A_966 = tpu.memref_slice %arg2[%add3A, %dma_wait3A_964, %dma_wait3A_965] : memref<32x50x128xi32, #tpu.memory_space<hbm>> -> memref<1x50x128xi32, #tpu.memory_space<hbm>>
      %dma_wait3A_967 = tpu.memref_squeeze %dma_wait3A_966 : memref<1x50x128xi32, #tpu.memory_space<hbm>> -> memref<50x128xi32, #tpu.memory_space<hbm>>
      %dma_wait3A_968 = arith.constant 0 : i32
      %dma_wait3A_969 = arith.constant 0 : i32
      %dma_wait3A_970 = tpu.memref_slice %arg2[%add3A, %dma_wait3A_968, %dma_wait3A_969] : memref<32x50x128xi32, #tpu.memory_space<hbm>> -> memref<1x50x128xi32, #tpu.memory_space<hbm>>
      %dma_wait3A_971 = tpu.memref_squeeze %dma_wait3A_970 : memref<1x50x128xi32, #tpu.memory_space<hbm>> -> memref<50x128xi32, #tpu.memory_space<hbm>>
      tpu.wait_dma2 semaphore(%run_scoped3A : memref<!tpu.dma_semaphore, #tpu.memory_space<semaphore_mem>>) src(%dma_wait3A_971 : memref<50x128xi32, #tpu.memory_space<hbm>>) dst(%arg5 : memref<50x128xi32, #tpu.memory_space<vmem>>)
      tpu.yield
    }) : () -> ()
    %add3A_3 = arith.constant 0 : i32
    %add3A_4 = arith.addi %mul3A_2, %add3A_3 : i32
    %jit3A = arith.constant 4096 : i32
    %div3A = arith.divsi %add3A_4, %jit3A : i32
    %sign3A = arith.constant 0 : i32
    %sign3A_5 = arith.cmpi sgt, %add3A_4, %sign3A : i32
    %sign3A_6 = arith.extui %sign3A_5 : i1 to i32
    %sign3A_7 = arith.constant 0 : i32
    %sign3A_8 = arith.cmpi slt, %add3A_4, %sign3A_7 : i32
    %sign3A_9 = arith.extui %sign3A_8 : i1 to i32
    %sign3A_10 = arith.subi %sign3A_6, %sign3A_9 : i32
    %sign3A_11 = arith.constant 0 : i32
    %sign3A_12 = arith.cmpi sgt, %jit3A, %sign3A_11 : i32
    %sign3A_13 = arith.extui %sign3A_12 : i1 to i32
    %sign3A_14 = arith.constant 0 : i32
    %sign3A_15 = arith.cmpi slt, %jit3A, %sign3A_14 : i32
    %sign3A_16 = arith.extui %sign3A_15 : i1 to i32
    %sign3A_17 = arith.subi %sign3A_13, %sign3A_16 : i32
    %ne3A = arith.cmpi ne, %sign3A_10, %sign3A_17 : i32
    %rem3A = arith.remsi %add3A_4, %jit3A : i32
    %ne3A_18 = arith.constant 0 : i32
    %ne3A_19 = arith.cmpi ne, %rem3A, %ne3A_18 : i32
    %and3A = arith.andi %ne3A, %ne3A_19 : i1
    %sub3A = arith.constant 1 : i32
    %sub3A_20 = arith.subi %div3A, %sub3A : i32
    %select_n3A = arith.select %and3A, %sub3A_20, %div3A : i32
    %jit3A_21 = arith.constant 4096 : i32
    %eq3A = arith.constant 0 : i32
    %eq3A_22 = arith.cmpi eq, %jit3A_21, %eq3A : i32
    %jit3A_23 = arith.constant 1 : i32
    %select_n3A_24 = arith.select %eq3A_22, %jit3A_23, %jit3A_21 : i32
    %rem3A_25 = arith.remsi %add3A_4, %select_n3A_24 : i32
    %ne3A_26 = arith.constant 0 : i32
    %ne3A_27 = arith.cmpi ne, %rem3A_25, %ne3A_26 : i32
    %lt3A = arith.constant 0 : i32
    %lt3A_28 = arith.cmpi slt, %rem3A_25, %lt3A : i32
    %lt3A_29 = arith.constant 0 : i32
    %lt3A_30 = arith.cmpi slt, %select_n3A_24, %lt3A_29 : i32
    %ne3A_31 = arith.xori %lt3A_28, %lt3A_30 : i1
    %and3A_32 = arith.andi %ne3A_31, %ne3A_27 : i1
    %add3A_33 = arith.addi %rem3A_25, %select_n3A_24 : i32
    %select_n3A_34 = arith.select %and3A_32, %add3A_33, %rem3A_25 : i32
    %dma_start3A = arith.constant 0 : i32
    %dma_start3A_35 = tpu.memref_slice %arg4[%select_n3A, %select_n3A_34, %dma_start3A] : memref<50x4096x128xf32, #tpu.memory_space<hbm>> -> memref<1x128x128xf32, #tpu.memory_space<hbm>>
    %dma_start3A_36 = tpu.memref_squeeze %dma_start3A_35 : memref<1x128x128xf32, #tpu.memory_space<hbm>> -> memref<128x128xf32, #tpu.memory_space<hbm>>
    %dma_start3A_37 = arith.constant 0 : i32
    %dma_start3A_38 = tpu.memref_slice %arg4[%select_n3A, %select_n3A_34, %dma_start3A_37] : memref<50x4096x128xf32, #tpu.memory_space<hbm>> -> memref<1x128x128xf32, #tpu.memory_space<hbm>>
    %dma_start3A_39 = tpu.memref_squeeze %dma_start3A_38 : memref<1x128x128xf32, #tpu.memory_space<hbm>> -> memref<128x128xf32, #tpu.memory_space<hbm>>
    tpu.enqueue_dma source(%arg6 : memref<128x128xf32, #tpu.memory_space<vmem>>) target(%dma_start3A_39 : memref<128x128xf32, #tpu.memory_space<hbm>>) target_semaphore(%arg16 : memref<!tpu.dma_semaphore, #tpu.memory_space<semaphore_mem>>)
    %add3A_40 = arith.constant 128 : i32
    %add3A_41 = arith.addi %mul3A_2, %add3A_40 : i32
    %jit3A_42 = arith.constant 4096 : i32
    %div3A_43 = arith.divsi %add3A_41, %jit3A_42 : i32
    %sign3A_44 = arith.constant 0 : i32
    %sign3A_45 = arith.cmpi sgt, %add3A_41, %sign3A_44 : i32
    %sign3A_46 = arith.extui %sign3A_45 : i1 to i32
    %sign3A_47 = arith.constant 0 : i32
    %sign3A_48 = arith.cmpi slt, %add3A_41, %sign3A_47 : i32
    %sign3A_49 = arith.extui %sign3A_48 : i1 to i32
    %sign3A_50 = arith.subi %sign3A_46, %sign3A_49 : i32
    %sign3A_51 = arith.constant 0 : i32
    %sign3A_52 = arith.cmpi sgt, %jit3A_42, %sign3A_51 : i32
    %sign3A_53 = arith.extui %sign3A_52 : i1 to i32
    %sign3A_54 = arith.constant 0 : i32
    %sign3A_55 = arith.cmpi slt, %jit3A_42, %sign3A_54 : i32
    %sign3A_56 = arith.extui %sign3A_55 : i1 to i32
    %sign3A_57 = arith.subi %sign3A_53, %sign3A_56 : i32
    %ne3A_58 = arith.cmpi ne, %sign3A_50, %sign3A_57 : i32
    %rem3A_59 = arith.remsi %add3A_41, %jit3A_42 : i32
    %ne3A_60 = arith.constant 0 : i32
    %ne3A_61 = arith.cmpi ne, %rem3A_59, %ne3A_60 : i32
    %and3A_62 = arith.andi %ne3A_58, %ne3A_61 : i1
    %sub3A_63 = arith.constant 1 : i32
    %sub3A_64 = arith.subi %div3A_43, %sub3A_63 : i32
    %select_n3A_65 = arith.select %and3A_62, %sub3A_64, %div3A_43 : i32
    %jit3A_66 = arith.constant 4096 : i32
    %eq3A_67 = arith.constant 0 : i32
    %eq3A_68 = arith.cmpi eq, %jit3A_66, %eq3A_67 : i32
    %jit3A_69 = arith.constant 1 : i32
    %select_n3A_70 = arith.select %eq3A_68, %jit3A_69, %jit3A_66 : i32
    %rem3A_71 = arith.remsi %add3A_41, %select_n3A_70 : i32
    %ne3A_72 = arith.constant 0 : i32
    %ne3A_73 = arith.cmpi ne, %rem3A_71, %ne3A_72 : i32
    %lt3A_74 = arith.constant 0 : i32
    %lt3A_75 = arith.cmpi slt, %rem3A_71, %lt3A_74 : i32
    %lt3A_76 = arith.constant 0 : i32
    %lt3A_77 = arith.cmpi slt, %select_n3A_70, %lt3A_76 : i32
    %ne3A_78 = arith.xori %lt3A_75, %lt3A_77 : i1
    %and3A_79 = arith.andi %ne3A_78, %ne3A_73 : i1
    %add3A_80 = arith.addi %rem3A_71, %select_n3A_70 : i32
    %select_n3A_81 = arith.select %and3A_79, %add3A_80, %rem3A_71 : i32
    %dma_start3A_82 = arith.constant 0 : i32
    %dma_start3A_83 = tpu.memref_slice %arg4[%select_n3A_65, %select_n3A_81, %dma_start3A_82] : memref<50x4096x128xf32, #tpu.memory_space<hbm>> -> memref<1x128x128xf32, #tpu.memory_space<hbm>>
    %dma_start3A_84 = tpu.memref_squeeze %dma_start3A_83 : memref<1x128x128xf32, #tpu.memory_space<hbm>> -> memref<128x128xf32, #tpu.memory_space<hbm>>
    %dma_start3A_85 = arith.constant 0 : i32
    %dma_start3A_86 = tpu.memref_slice %arg4[%select_n3A_65, %select_n3A_81, %dma_start3A_85] : memref<50x4096x128xf32, #tpu.memory_space<hbm>> -> memref<1x128x128xf32, #tpu.memory_space<hbm>>
    %dma_start3A_87 = tpu.memref_squeeze %dma_start3A_86 : memref<1x128x128xf32, #tpu.memory_space<hbm>> -> memref<128x128xf32, #tpu.memory_space<hbm>>
    tpu.enqueue_dma source(%arg7 : memref<128x128xf32, #tpu.memory_space<vmem>>) target(%dma_start3A_87 : memref<128x128xf32, #tpu.memory_space<hbm>>) target_semaphore(%arg17 : memref<!tpu.dma_semaphore, #tpu.memory_space<semaphore_mem>>)
    %add3A_88 = arith.constant 256 : i32
    %add3A_89 = arith.addi %mul3A_2, %add3A_88 : i32
    %jit3A_90 = arith.constant 4096 : i32
    %div3A_91 = arith.divsi %add3A_89, %jit3A_90 : i32
    %sign3A_92 = arith.constant 0 : i32
    %sign3A_93 = arith.cmpi sgt, %add3A_89, %sign3A_92 : i32
    %sign3A_94 = arith.extui %sign3A_93 : i1 to i32
    %sign3A_95 = arith.constant 0 : i32
    %sign3A_96 = arith.cmpi slt, %add3A_89, %sign3A_95 : i32
    %sign3A_97 = arith.extui %sign3A_96 : i1 to i32
    %sign3A_98 = arith.subi %sign3A_94, %sign3A_97 : i32
    %sign3A_99 = arith.constant 0 : i32
    %sign3A_100 = arith.cmpi sgt, %jit3A_90, %sign3A_99 : i32
    %sign3A_101 = arith.extui %sign3A_100 : i1 to i32
    %sign3A_102 = arith.constant 0 : i32
    %sign3A_103 = arith.cmpi slt, %jit3A_90, %sign3A_102 : i32
    %sign3A_104 = arith.extui %sign3A_103 : i1 to i32
    %sign3A_105 = arith.subi %sign3A_101, %sign3A_104 : i32
    %ne3A_106 = arith.cmpi ne, %sign3A_98, %sign3A_105 : i32
    %rem3A_107 = arith.remsi %add3A_89, %jit3A_90 : i32
    %ne3A_108 = arith.constant 0 : i32
    %ne3A_109 = arith.cmpi ne, %rem3A_107, %ne3A_108 : i32
    %and3A_110 = arith.andi %ne3A_106, %ne3A_109 : i1
    %sub3A_111 = arith.constant 1 : i32
    %sub3A_112 = arith.subi %div3A_91, %sub3A_111 : i32
    %select_n3A_113 = arith.select %and3A_110, %sub3A_112, %div3A_91 : i32
    %jit3A_114 = arith.constant 4096 : i32
    %eq3A_115 = arith.constant 0 : i32
    %eq3A_116 = arith.cmpi eq, %jit3A_114, %eq3A_115 : i32
    %jit3A_117 = arith.constant 1 : i32
    %select_n3A_118 = arith.select %eq3A_116, %jit3A_117, %jit3A_114 : i32
    %rem3A_119 = arith.remsi %add3A_89, %select_n3A_118 : i32
    %ne3A_120 = arith.constant 0 : i32
    %ne3A_121 = arith.cmpi ne, %rem3A_119, %ne3A_120 : i32
    %lt3A_122 = arith.constant 0 : i32
    %lt3A_123 = arith.cmpi slt, %rem3A_119, %lt3A_122 : i32
    %lt3A_124 = arith.constant 0 : i32
    %lt3A_125 = arith.cmpi slt, %select_n3A_118, %lt3A_124 : i32
    %ne3A_126 = arith.xori %lt3A_123, %lt3A_125 : i1
    %and3A_127 = arith.andi %ne3A_126, %ne3A_121 : i1
    %add3A_128 = arith.addi %rem3A_119, %select_n3A_118 : i32
    %select_n3A_129 = arith.select %and3A_127, %add3A_128, %rem3A_119 : i32
    %dma_start3A_130 = arith.constant 0 : i32
    %dma_start3A_131 = tpu.memref_slice %arg4[%select_n3A_113, %select_n3A_129, %dma_start3A_130] : memref<50x4096x128xf32, #tpu.memory_space<hbm>> -> memref<1x128x128xf32, #tpu.memory_space<hbm>>
    %dma_start3A_132 = tpu.memref_squeeze %dma_start3A_131 : memref<1x128x128xf32, #tpu.memory_space<hbm>> -> memref<128x128xf32, #tpu.memory_space<hbm>>
    %dma_start3A_133 = arith.constant 0 : i32
    %dma_start3A_134 = tpu.memref_slice %arg4[%select_n3A_113, %select_n3A_129, %dma_start3A_133] : memref<50x4096x128xf32, #tpu.memory_space<hbm>> -> memref<1x128x128xf32, #tpu.memory_space<hbm>>
    %dma_start3A_135 = tpu.memref_squeeze %dma_start3A_134 : memref<1x128x128xf32, #tpu.memory_space<hbm>> -> memref<128x128xf32, #tpu.memory_space<hbm>>
    tpu.enqueue_dma source(%arg8 : memref<128x128xf32, #tpu.memory_space<vmem>>) target(%dma_start3A_135 : memref<128x128xf32, #tpu.memory_space<hbm>>) target_semaphore(%arg18 : memref<!tpu.dma_semaphore, #tpu.memory_space<semaphore_mem>>)
    %add3A_136 = arith.constant 0 : i32
    %add3A_137 = arith.addi %mul3A_2, %add3A_136 : i32
    %jit3A_138 = arith.constant 4096 : i32
    %div3A_139 = arith.divsi %add3A_137, %jit3A_138 : i32
    %sign3A_140 = arith.constant 0 : i32
    %sign3A_141 = arith.cmpi sgt, %add3A_137, %sign3A_140 : i32
    %sign3A_142 = arith.extui %sign3A_141 : i1 to i32
    %sign3A_143 = arith.constant 0 : i32
    %sign3A_144 = arith.cmpi slt, %add3A_137, %sign3A_143 : i32
    %sign3A_145 = arith.extui %sign3A_144 : i1 to i32
    %sign3A_146 = arith.subi %sign3A_142, %sign3A_145 : i32
    %sign3A_147 = arith.constant 0 : i32
    %sign3A_148 = arith.cmpi sgt, %jit3A_138, %sign3A_147 : i32
    %sign3A_149 = arith.extui %sign3A_148 : i1 to i32
    %sign3A_150 = arith.constant 0 : i32
    %sign3A_151 = arith.cmpi slt, %jit3A_138, %sign3A_150 : i32
    %sign3A_152 = arith.extui %sign3A_151 : i1 to i32
    %sign3A_153 = arith.subi %sign3A_149, %sign3A_152 : i32
    %ne3A_154 = arith.cmpi ne, %sign3A_146, %sign3A_153 : i32
    %rem3A_155 = arith.remsi %add3A_137, %jit3A_138 : i32
    %ne3A_156 = arith.constant 0 : i32
    %ne3A_157 = arith.cmpi ne, %rem3A_155, %ne3A_156 : i32
    %and3A_158 = arith.andi %ne3A_154, %ne3A_157 : i1
    %sub3A_159 = arith.constant 1 : i32
    %sub3A_160 = arith.subi %div3A_139, %sub3A_159 : i32
    %select_n3A_161 = arith.select %and3A_158, %sub3A_160, %div3A_139 : i32
    %jit3A_162 = arith.constant 4096 : i32
    %eq3A_163 = arith.constant 0 : i32
    %eq3A_164 = arith.cmpi eq, %jit3A_162, %eq3A_163 : i32
    %jit3A_165 = arith.constant 1 : i32
    %select_n3A_166 = arith.select %eq3A_164, %jit3A_165, %jit3A_162 : i32
    %rem3A_167 = arith.remsi %add3A_137, %select_n3A_166 : i32
    %ne3A_168 = arith.constant 0 : i32
    %ne3A_169 = arith.cmpi ne, %rem3A_167, %ne3A_168 : i32
    %lt3A_170 = arith.constant 0 : i32
    %lt3A_171 = arith.cmpi slt, %rem3A_167, %lt3A_170 : i32
    %lt3A_172 = arith.constant 0 : i32
    %lt3A_173 = arith.cmpi slt, %select_n3A_166, %lt3A_172 : i32
    %ne3A_174 = arith.xori %lt3A_171, %lt3A_173 : i1
    %and3A_175 = arith.andi %ne3A_174, %ne3A_169 : i1
    %add3A_176 = arith.addi %rem3A_167, %select_n3A_166 : i32
    %select_n3A_177 = arith.select %and3A_175, %add3A_176, %rem3A_167 : i32
    %dma_wait3A = arith.constant 0 : i32
    %dma_wait3A_178 = tpu.memref_slice %arg4[%select_n3A_161, %select_n3A_177, %dma_wait3A] : memref<50x4096x128xf32, #tpu.memory_space<hbm>> -> memref<1x128x128xf32, #tpu.memory_space<hbm>>
    %dma_wait3A_179 = tpu.memref_squeeze %dma_wait3A_178 : memref<1x128x128xf32, #tpu.memory_space<hbm>> -> memref<128x128xf32, #tpu.memory_space<hbm>>
    %dma_wait3A_180 = arith.constant 0 : i32
    %dma_wait3A_181 = tpu.memref_slice %arg4[%select_n3A_161, %select_n3A_177, %dma_wait3A_180] : memref<50x4096x128xf32, #tpu.memory_space<hbm>> -> memref<1x128x128xf32, #tpu.memory_space<hbm>>
    %dma_wait3A_182 = tpu.memref_squeeze %dma_wait3A_181 : memref<1x128x128xf32, #tpu.memory_space<hbm>> -> memref<128x128xf32, #tpu.memory_space<hbm>>
    tpu.wait_dma2 semaphore(%arg16 : memref<!tpu.dma_semaphore, #tpu.memory_space<semaphore_mem>>) src(%arg6 : memref<128x128xf32, #tpu.memory_space<vmem>>) dst(%dma_wait3A_182 : memref<128x128xf32, #tpu.memory_space<hbm>>)
    %add3A_183 = arith.constant 384 : i32
    %add3A_184 = arith.addi %mul3A_2, %add3A_183 : i32
    %jit3A_185 = arith.constant 4096 : i32
    %div3A_186 = arith.divsi %add3A_184, %jit3A_185 : i32
    %sign3A_187 = arith.constant 0 : i32
    %sign3A_188 = arith.cmpi sgt, %add3A_184, %sign3A_187 : i32
    %sign3A_189 = arith.extui %sign3A_188 : i1 to i32
    %sign3A_190 = arith.constant 0 : i32
    %sign3A_191 = arith.cmpi slt, %add3A_184, %sign3A_190 : i32
    %sign3A_192 = arith.extui %sign3A_191 : i1 to i32
    %sign3A_193 = arith.subi %sign3A_189, %sign3A_192 : i32
    %sign3A_194 = arith.constant 0 : i32
    %sign3A_195 = arith.cmpi sgt, %jit3A_185, %sign3A_194 : i32
    %sign3A_196 = arith.extui %sign3A_195 : i1 to i32
    %sign3A_197 = arith.constant 0 : i32
    %sign3A_198 = arith.cmpi slt, %jit3A_185, %sign3A_197 : i32
    %sign3A_199 = arith.extui %sign3A_198 : i1 to i32
    %sign3A_200 = arith.subi %sign3A_196, %sign3A_199 : i32
    %ne3A_201 = arith.cmpi ne, %sign3A_193, %sign3A_200 : i32
    %rem3A_202 = arith.remsi %add3A_184, %jit3A_185 : i32
    %ne3A_203 = arith.constant 0 : i32
    %ne3A_204 = arith.cmpi ne, %rem3A_202, %ne3A_203 : i32
    %and3A_205 = arith.andi %ne3A_201, %ne3A_204 : i1
    %sub3A_206 = arith.constant 1 : i32
    %sub3A_207 = arith.subi %div3A_186, %sub3A_206 : i32
    %select_n3A_208 = arith.select %and3A_205, %sub3A_207, %div3A_186 : i32
    %jit3A_209 = arith.constant 4096 : i32
    %eq3A_210 = arith.constant 0 : i32
    %eq3A_211 = arith.cmpi eq, %jit3A_209, %eq3A_210 : i32
    %jit3A_212 = arith.constant 1 : i32
    %select_n3A_213 = arith.select %eq3A_211, %jit3A_212, %jit3A_209 : i32
    %rem3A_214 = arith.remsi %add3A_184, %select_n3A_213 : i32
    %ne3A_215 = arith.constant 0 : i32
    %ne3A_216 = arith.cmpi ne, %rem3A_214, %ne3A_215 : i32
    %lt3A_217 = arith.constant 0 : i32
    %lt3A_218 = arith.cmpi slt, %rem3A_214, %lt3A_217 : i32
    %lt3A_219 = arith.constant 0 : i32
    %lt3A_220 = arith.cmpi slt, %select_n3A_213, %lt3A_219 : i32
    %ne3A_221 = arith.xori %lt3A_218, %lt3A_220 : i1
    %and3A_222 = arith.andi %ne3A_221, %ne3A_216 : i1
    %add3A_223 = arith.addi %rem3A_214, %select_n3A_213 : i32
    %select_n3A_224 = arith.select %and3A_222, %add3A_223, %rem3A_214 : i32
    %dma_start3A_225 = arith.constant 0 : i32
    %dma_start3A_226 = tpu.memref_slice %arg4[%select_n3A_208, %select_n3A_224, %dma_start3A_225] : memref<50x4096x128xf32, #tpu.memory_space<hbm>> -> memref<1x128x128xf32, #tpu.memory_space<hbm>>
    %dma_start3A_227 = tpu.memref_squeeze %dma_start3A_226 : memref<1x128x128xf32, #tpu.memory_space<hbm>> -> memref<128x128xf32, #tpu.memory_space<hbm>>
    %dma_start3A_228 = arith.constant 0 : i32
    %dma_start3A_229 = tpu.memref_slice %arg4[%select_n3A_208, %select_n3A_224, %dma_start3A_228] : memref<50x4096x128xf32, #tpu.memory_space<hbm>> -> memref<1x128x128xf32, #tpu.memory_space<hbm>>
    %dma_start3A_230 = tpu.memref_squeeze %dma_start3A_229 : memref<1x128x128xf32, #tpu.memory_space<hbm>> -> memref<128x128xf32, #tpu.memory_space<hbm>>
    tpu.enqueue_dma source(%arg9 : memref<128x128xf32, #tpu.memory_space<vmem>>) target(%dma_start3A_230 : memref<128x128xf32, #tpu.memory_space<hbm>>) target_semaphore(%arg19 : memref<!tpu.dma_semaphore, #tpu.memory_space<semaphore_mem>>)
    %add3A_231 = arith.constant 128 : i32
    %add3A_232 = arith.addi %mul3A_2, %add3A_231 : i32
    %jit3A_233 = arith.constant 4096 : i32
    %div3A_234 = arith.divsi %add3A_232, %jit3A_233 : i32
    %sign3A_235 = arith.constant 0 : i32
    %sign3A_236 = arith.cmpi sgt, %add3A_232, %sign3A_235 : i32
    %sign3A_237 = arith.extui %sign3A_236 : i1 to i32
    %sign3A_238 = arith.constant 0 : i32
    %sign3A_239 = arith.cmpi slt, %add3A_232, %sign3A_238 : i32
    %sign3A_240 = arith.extui %sign3A_239 : i1 to i32
    %sign3A_241 = arith.subi %sign3A_237, %sign3A_240 : i32
    %sign3A_242 = arith.constant 0 : i32
    %sign3A_243 = arith.cmpi sgt, %jit3A_233, %sign3A_242 : i32
    %sign3A_244 = arith.extui %sign3A_243 : i1 to i32
    %sign3A_245 = arith.constant 0 : i32
    %sign3A_246 = arith.cmpi slt, %jit3A_233, %sign3A_245 : i32
    %sign3A_247 = arith.extui %sign3A_246 : i1 to i32
    %sign3A_248 = arith.subi %sign3A_244, %sign3A_247 : i32
    %ne3A_249 = arith.cmpi ne, %sign3A_241, %sign3A_248 : i32
    %rem3A_250 = arith.remsi %add3A_232, %jit3A_233 : i32
    %ne3A_251 = arith.constant 0 : i32
    %ne3A_252 = arith.cmpi ne, %rem3A_250, %ne3A_251 : i32
    %and3A_253 = arith.andi %ne3A_249, %ne3A_252 : i1
    %sub3A_254 = arith.constant 1 : i32
    %sub3A_255 = arith.subi %div3A_234, %sub3A_254 : i32
    %select_n3A_256 = arith.select %and3A_253, %sub3A_255, %div3A_234 : i32
    %jit3A_257 = arith.constant 4096 : i32
    %eq3A_258 = arith.constant 0 : i32
    %eq3A_259 = arith.cmpi eq, %jit3A_257, %eq3A_258 : i32
    %jit3A_260 = arith.constant 1 : i32
    %select_n3A_261 = arith.select %eq3A_259, %jit3A_260, %jit3A_257 : i32
    %rem3A_262 = arith.remsi %add3A_232, %select_n3A_261 : i32
    %ne3A_263 = arith.constant 0 : i32
    %ne3A_264 = arith.cmpi ne, %rem3A_262, %ne3A_263 : i32
    %lt3A_265 = arith.constant 0 : i32
    %lt3A_266 = arith.cmpi slt, %rem3A_262, %lt3A_265 : i32
    %lt3A_267 = arith.constant 0 : i32
    %lt3A_268 = arith.cmpi slt, %select_n3A_261, %lt3A_267 : i32
    %ne3A_269 = arith.xori %lt3A_266, %lt3A_268 : i1
    %and3A_270 = arith.andi %ne3A_269, %ne3A_264 : i1
    %add3A_271 = arith.addi %rem3A_262, %select_n3A_261 : i32
    %select_n3A_272 = arith.select %and3A_270, %add3A_271, %rem3A_262 : i32
    %dma_wait3A_273 = arith.constant 0 : i32
    %dma_wait3A_274 = tpu.memref_slice %arg4[%select_n3A_256, %select_n3A_272, %dma_wait3A_273] : memref<50x4096x128xf32, #tpu.memory_space<hbm>> -> memref<1x128x128xf32, #tpu.memory_space<hbm>>
    %dma_wait3A_275 = tpu.memref_squeeze %dma_wait3A_274 : memref<1x128x128xf32, #tpu.memory_space<hbm>> -> memref<128x128xf32, #tpu.memory_space<hbm>>
    %dma_wait3A_276 = arith.constant 0 : i32
    %dma_wait3A_277 = tpu.memref_slice %arg4[%select_n3A_256, %select_n3A_272, %dma_wait3A_276] : memref<50x4096x128xf32, #tpu.memory_space<hbm>> -> memref<1x128x128xf32, #tpu.memory_space<hbm>>
    %dma_wait3A_278 = tpu.memref_squeeze %dma_wait3A_277 : memref<1x128x128xf32, #tpu.memory_space<hbm>> -> memref<128x128xf32, #tpu.memory_space<hbm>>
    tpu.wait_dma2 semaphore(%arg17 : memref<!tpu.dma_semaphore, #tpu.memory_space<semaphore_mem>>) src(%arg7 : memref<128x128xf32, #tpu.memory_space<vmem>>) dst(%dma_wait3A_278 : memref<128x128xf32, #tpu.memory_space<hbm>>)
    %add3A_279 = arith.constant 512 : i32
    %add3A_280 = arith.addi %mul3A_2, %add3A_279 : i32
    %jit3A_281 = arith.constant 4096 : i32
    %div3A_282 = arith.divsi %add3A_280, %jit3A_281 : i32
    %sign3A_283 = arith.constant 0 : i32
    %sign3A_284 = arith.cmpi sgt, %add3A_280, %sign3A_283 : i32
    %sign3A_285 = arith.extui %sign3A_284 : i1 to i32
    %sign3A_286 = arith.constant 0 : i32
    %sign3A_287 = arith.cmpi slt, %add3A_280, %sign3A_286 : i32
    %sign3A_288 = arith.extui %sign3A_287 : i1 to i32
    %sign3A_289 = arith.subi %sign3A_285, %sign3A_288 : i32
    %sign3A_290 = arith.constant 0 : i32
    %sign3A_291 = arith.cmpi sgt, %jit3A_281, %sign3A_290 : i32
    %sign3A_292 = arith.extui %sign3A_291 : i1 to i32
    %sign3A_293 = arith.constant 0 : i32
    %sign3A_294 = arith.cmpi slt, %jit3A_281, %sign3A_293 : i32
    %sign3A_295 = arith.extui %sign3A_294 : i1 to i32
    %sign3A_296 = arith.subi %sign3A_292, %sign3A_295 : i32
    %ne3A_297 = arith.cmpi ne, %sign3A_289, %sign3A_296 : i32
    %rem3A_298 = arith.remsi %add3A_280, %jit3A_281 : i32
    %ne3A_299 = arith.constant 0 : i32
    %ne3A_300 = arith.cmpi ne, %rem3A_298, %ne3A_299 : i32
    %and3A_301 = arith.andi %ne3A_297, %ne3A_300 : i1
    %sub3A_302 = arith.constant 1 : i32
    %sub3A_303 = arith.subi %div3A_282, %sub3A_302 : i32
    %select_n3A_304 = arith.select %and3A_301, %sub3A_303, %div3A_282 : i32
    %jit3A_305 = arith.constant 4096 : i32
    %eq3A_306 = arith.constant 0 : i32
    %eq3A_307 = arith.cmpi eq, %jit3A_305, %eq3A_306 : i32
    %jit3A_308 = arith.constant 1 : i32
    %select_n3A_309 = arith.select %eq3A_307, %jit3A_308, %jit3A_305 : i32
    %rem3A_310 = arith.remsi %add3A_280, %select_n3A_309 : i32
    %ne3A_311 = arith.constant 0 : i32
    %ne3A_312 = arith.cmpi ne, %rem3A_310, %ne3A_311 : i32
    %lt3A_313 = arith.constant 0 : i32
    %lt3A_314 = arith.cmpi slt, %rem3A_310, %lt3A_313 : i32
    %lt3A_315 = arith.constant 0 : i32
    %lt3A_316 = arith.cmpi slt, %select_n3A_309, %lt3A_315 : i32
    %ne3A_317 = arith.xori %lt3A_314, %lt3A_316 : i1
    %and3A_318 = arith.andi %ne3A_317, %ne3A_312 : i1
    %add3A_319 = arith.addi %rem3A_310, %select_n3A_309 : i32
    %select_n3A_320 = arith.select %and3A_318, %add3A_319, %rem3A_310 : i32
    %dma_start3A_321 = arith.constant 0 : i32
    %dma_start3A_322 = tpu.memref_slice %arg4[%select_n3A_304, %select_n3A_320, %dma_start3A_321] : memref<50x4096x128xf32, #tpu.memory_space<hbm>> -> memref<1x128x128xf32, #tpu.memory_space<hbm>>
    %dma_start3A_323 = tpu.memref_squeeze %dma_start3A_322 : memref<1x128x128xf32, #tpu.memory_space<hbm>> -> memref<128x128xf32, #tpu.memory_space<hbm>>
    %dma_start3A_324 = arith.constant 0 : i32
    %dma_start3A_325 = tpu.memref_slice %arg4[%select_n3A_304, %select_n3A_320, %dma_start3A_324] : memref<50x4096x128xf32, #tpu.memory_space<hbm>> -> memref<1x128x128xf32, #tpu.memory_space<hbm>>
    %dma_start3A_326 = tpu.memref_squeeze %dma_start3A_325 : memref<1x128x128xf32, #tpu.memory_space<hbm>> -> memref<128x128xf32, #tpu.memory_space<hbm>>
    tpu.enqueue_dma source(%arg10 : memref<128x128xf32, #tpu.memory_space<vmem>>) target(%dma_start3A_326 : memref<128x128xf32, #tpu.memory_space<hbm>>) target_semaphore(%arg20 : memref<!tpu.dma_semaphore, #tpu.memory_space<semaphore_mem>>)
    %scan3A = arith.constant 0 : i32
    %scan3A_327 = arith.constant 1 : i32
    %scan3A_328 = arith.constant 8 : i32
    %scan3A_329 = arith.addi %scan3A_327, %scan3A_328 : i32
    %scan3A_330 = arith.constant 1 : i32
    scf.for %scan3A_956 = %scan3A_327 to %scan3A_329 step %scan3A_330  : i32 {
      %mul3A_957 = arith.constant 5 : i32
      %mul3A_958 = arith.muli %scan3A_956, %mul3A_957 : i32
      %add3A_959 = arith.constant 0 : i32
      %add3A_960 = arith.addi %mul3A_958, %add3A_959 : i32
      %sub3A_961 = arith.constant 3 : i32
      %sub3A_962 = arith.subi %add3A_960, %sub3A_961 : i32
      %mul3A_963 = arith.constant 128 : i32
      %mul3A_964 = arith.muli %sub3A_962, %mul3A_963 : i32
      %add3A_965 = arith.addi %mul3A_2, %mul3A_964 : i32
      %jit3A_966 = arith.constant 4096 : i32
      %div3A_967 = arith.divsi %add3A_965, %jit3A_966 : i32
      %sign3A_968 = arith.constant 0 : i32
      %sign3A_969 = arith.cmpi sgt, %add3A_965, %sign3A_968 : i32
      %sign3A_970 = arith.extui %sign3A_969 : i1 to i32
      %sign3A_971 = arith.constant 0 : i32
      %sign3A_972 = arith.cmpi slt, %add3A_965, %sign3A_971 : i32
      %sign3A_973 = arith.extui %sign3A_972 : i1 to i32
      %sign3A_974 = arith.subi %sign3A_970, %sign3A_973 : i32
      %sign3A_975 = arith.constant 0 : i32
      %sign3A_976 = arith.cmpi sgt, %jit3A_966, %sign3A_975 : i32
      %sign3A_977 = arith.extui %sign3A_976 : i1 to i32
      %sign3A_978 = arith.constant 0 : i32
      %sign3A_979 = arith.cmpi slt, %jit3A_966, %sign3A_978 : i32
      %sign3A_980 = arith.extui %sign3A_979 : i1 to i32
      %sign3A_981 = arith.subi %sign3A_977, %sign3A_980 : i32
      %ne3A_982 = arith.cmpi ne, %sign3A_974, %sign3A_981 : i32
      %rem3A_983 = arith.remsi %add3A_965, %jit3A_966 : i32
      %ne3A_984 = arith.constant 0 : i32
      %ne3A_985 = arith.cmpi ne, %rem3A_983, %ne3A_984 : i32
      %and3A_986 = arith.andi %ne3A_982, %ne3A_985 : i1
      %sub3A_987 = arith.constant 1 : i32
      %sub3A_988 = arith.subi %div3A_967, %sub3A_987 : i32
      %select_n3A_989 = arith.select %and3A_986, %sub3A_988, %div3A_967 : i32
      %jit3A_990 = arith.constant 4096 : i32
      %eq3A_991 = arith.constant 0 : i32
      %eq3A_992 = arith.cmpi eq, %jit3A_990, %eq3A_991 : i32
      %jit3A_993 = arith.constant 1 : i32
      %select_n3A_994 = arith.select %eq3A_992, %jit3A_993, %jit3A_990 : i32
      %rem3A_995 = arith.remsi %add3A_965, %select_n3A_994 : i32
      %ne3A_996 = arith.constant 0 : i32
      %ne3A_997 = arith.cmpi ne, %rem3A_995, %ne3A_996 : i32
      %lt3A_998 = arith.constant 0 : i32
      %lt3A_999 = arith.cmpi slt, %rem3A_995, %lt3A_998 : i32
      %lt3A_1000 = arith.constant 0 : i32
      %lt3A_1001 = arith.cmpi slt, %select_n3A_994, %lt3A_1000 : i32
      %ne3A_1002 = arith.xori %lt3A_999, %lt3A_1001 : i1
      %and3A_1003 = arith.andi %ne3A_1002, %ne3A_997 : i1
      %add3A_1004 = arith.addi %rem3A_995, %select_n3A_994 : i32
      %select_n3A_1005 = arith.select %and3A_1003, %add3A_1004, %rem3A_995 : i32
      %dma_wait3A_1006 = arith.constant 0 : i32
      %dma_wait3A_1007 = tpu.memref_slice %arg4[%select_n3A_989, %select_n3A_1005, %dma_wait3A_1006] : memref<50x4096x128xf32, #tpu.memory_space<hbm>> -> memref<1x128x128xf32, #tpu.memory_space<hbm>>
      %dma_wait3A_1008 = tpu.memref_squeeze %dma_wait3A_1007 : memref<1x128x128xf32, #tpu.memory_space<hbm>> -> memref<128x128xf32, #tpu.memory_space<hbm>>
      %dma_wait3A_1009 = arith.constant 0 : i32
      %dma_wait3A_1010 = tpu.memref_slice %arg4[%select_n3A_989, %select_n3A_1005, %dma_wait3A_1009] : memref<50x4096x128xf32, #tpu.memory_space<hbm>> -> memref<1x128x128xf32, #tpu.memory_space<hbm>>
      %dma_wait3A_1011 = tpu.memref_squeeze %dma_wait3A_1010 : memref<1x128x128xf32, #tpu.memory_space<hbm>> -> memref<128x128xf32, #tpu.memory_space<hbm>>
      tpu.wait_dma2 semaphore(%arg18 : memref<!tpu.dma_semaphore, #tpu.memory_space<semaphore_mem>>) src(%arg8 : memref<128x128xf32, #tpu.memory_space<vmem>>) dst(%dma_wait3A_1011 : memref<128x128xf32, #tpu.memory_space<hbm>>)
      %add3A_1012 = arith.constant 2 : i32
      %add3A_1013 = arith.addi %add3A_960, %add3A_1012 : i32
      %mul3A_1014 = arith.constant 128 : i32
      %mul3A_1015 = arith.muli %add3A_960, %mul3A_1014 : i32
      %add3A_1016 = arith.addi %mul3A_2, %mul3A_1015 : i32
      %jit3A_1017 = arith.constant 4096 : i32
      %div3A_1018 = arith.divsi %add3A_1016, %jit3A_1017 : i32
      %sign3A_1019 = arith.constant 0 : i32
      %sign3A_1020 = arith.cmpi sgt, %add3A_1016, %sign3A_1019 : i32
      %sign3A_1021 = arith.extui %sign3A_1020 : i1 to i32
      %sign3A_1022 = arith.constant 0 : i32
      %sign3A_1023 = arith.cmpi slt, %add3A_1016, %sign3A_1022 : i32
      %sign3A_1024 = arith.extui %sign3A_1023 : i1 to i32
      %sign3A_1025 = arith.subi %sign3A_1021, %sign3A_1024 : i32
      %sign3A_1026 = arith.constant 0 : i32
      %sign3A_1027 = arith.cmpi sgt, %jit3A_1017, %sign3A_1026 : i32
      %sign3A_1028 = arith.extui %sign3A_1027 : i1 to i32
      %sign3A_1029 = arith.constant 0 : i32
      %sign3A_1030 = arith.cmpi slt, %jit3A_1017, %sign3A_1029 : i32
      %sign3A_1031 = arith.extui %sign3A_1030 : i1 to i32
      %sign3A_1032 = arith.subi %sign3A_1028, %sign3A_1031 : i32
      %ne3A_1033 = arith.cmpi ne, %sign3A_1025, %sign3A_1032 : i32
      %rem3A_1034 = arith.remsi %add3A_1016, %jit3A_1017 : i32
      %ne3A_1035 = arith.constant 0 : i32
      %ne3A_1036 = arith.cmpi ne, %rem3A_1034, %ne3A_1035 : i32
      %and3A_1037 = arith.andi %ne3A_1033, %ne3A_1036 : i1
      %sub3A_1038 = arith.constant 1 : i32
      %sub3A_1039 = arith.subi %div3A_1018, %sub3A_1038 : i32
      %select_n3A_1040 = arith.select %and3A_1037, %sub3A_1039, %div3A_1018 : i32
      %jit3A_1041 = arith.constant 4096 : i32
      %eq3A_1042 = arith.constant 0 : i32
      %eq3A_1043 = arith.cmpi eq, %jit3A_1041, %eq3A_1042 : i32
      %jit3A_1044 = arith.constant 1 : i32
      %select_n3A_1045 = arith.select %eq3A_1043, %jit3A_1044, %jit3A_1041 : i32
      %rem3A_1046 = arith.remsi %add3A_1016, %select_n3A_1045 : i32
      %ne3A_1047 = arith.constant 0 : i32
      %ne3A_1048 = arith.cmpi ne, %rem3A_1046, %ne3A_1047 : i32
      %lt3A_1049 = arith.constant 0 : i32
      %lt3A_1050 = arith.cmpi slt, %rem3A_1046, %lt3A_1049 : i32
      %lt3A_1051 = arith.constant 0 : i32
      %lt3A_1052 = arith.cmpi slt, %select_n3A_1045, %lt3A_1051 : i32
      %ne3A_1053 = arith.xori %lt3A_1050, %lt3A_1052 : i1
      %and3A_1054 = arith.andi %ne3A_1053, %ne3A_1048 : i1
      %add3A_1055 = arith.addi %rem3A_1046, %select_n3A_1045 : i32
      %select_n3A_1056 = arith.select %and3A_1054, %add3A_1055, %rem3A_1046 : i32
      %dma_start3A_1057 = arith.constant 0 : i32
      %dma_start3A_1058 = tpu.memref_slice %arg4[%select_n3A_1040, %select_n3A_1056, %dma_start3A_1057] : memref<50x4096x128xf32, #tpu.memory_space<hbm>> -> memref<1x128x128xf32, #tpu.memory_space<hbm>>
      %dma_start3A_1059 = tpu.memref_squeeze %dma_start3A_1058 : memref<1x128x128xf32, #tpu.memory_space<hbm>> -> memref<128x128xf32, #tpu.memory_space<hbm>>
      %dma_start3A_1060 = arith.constant 0 : i32
      %dma_start3A_1061 = tpu.memref_slice %arg4[%select_n3A_1040, %select_n3A_1056, %dma_start3A_1060] : memref<50x4096x128xf32, #tpu.memory_space<hbm>> -> memref<1x128x128xf32, #tpu.memory_space<hbm>>
      %dma_start3A_1062 = tpu.memref_squeeze %dma_start3A_1061 : memref<1x128x128xf32, #tpu.memory_space<hbm>> -> memref<128x128xf32, #tpu.memory_space<hbm>>
      tpu.enqueue_dma source(%arg6 : memref<128x128xf32, #tpu.memory_space<vmem>>) target(%dma_start3A_1062 : memref<128x128xf32, #tpu.memory_space<hbm>>) target_semaphore(%arg16 : memref<!tpu.dma_semaphore, #tpu.memory_space<semaphore_mem>>)
      %add3A_1063 = arith.constant 1 : i32
      %add3A_1064 = arith.addi %mul3A_958, %add3A_1063 : i32
      %sub3A_1065 = arith.constant 3 : i32
      %sub3A_1066 = arith.subi %add3A_1064, %sub3A_1065 : i32
      %mul3A_1067 = arith.constant 128 : i32
      %mul3A_1068 = arith.muli %sub3A_1066, %mul3A_1067 : i32
      %add3A_1069 = arith.addi %mul3A_2, %mul3A_1068 : i32
      %jit3A_1070 = arith.constant 4096 : i32
      %div3A_1071 = arith.divsi %add3A_1069, %jit3A_1070 : i32
      %sign3A_1072 = arith.constant 0 : i32
      %sign3A_1073 = arith.cmpi sgt, %add3A_1069, %sign3A_1072 : i32
      %sign3A_1074 = arith.extui %sign3A_1073 : i1 to i32
      %sign3A_1075 = arith.constant 0 : i32
      %sign3A_1076 = arith.cmpi slt, %add3A_1069, %sign3A_1075 : i32
      %sign3A_1077 = arith.extui %sign3A_1076 : i1 to i32
      %sign3A_1078 = arith.subi %sign3A_1074, %sign3A_1077 : i32
      %sign3A_1079 = arith.constant 0 : i32
      %sign3A_1080 = arith.cmpi sgt, %jit3A_1070, %sign3A_1079 : i32
      %sign3A_1081 = arith.extui %sign3A_1080 : i1 to i32
      %sign3A_1082 = arith.constant 0 : i32
      %sign3A_1083 = arith.cmpi slt, %jit3A_1070, %sign3A_1082 : i32
      %sign3A_1084 = arith.extui %sign3A_1083 : i1 to i32
      %sign3A_1085 = arith.subi %sign3A_1081, %sign3A_1084 : i32
      %ne3A_1086 = arith.cmpi ne, %sign3A_1078, %sign3A_1085 : i32
      %rem3A_1087 = arith.remsi %add3A_1069, %jit3A_1070 : i32
      %ne3A_1088 = arith.constant 0 : i32
      %ne3A_1089 = arith.cmpi ne, %rem3A_1087, %ne3A_1088 : i32
      %and3A_1090 = arith.andi %ne3A_1086, %ne3A_1089 : i1
      %sub3A_1091 = arith.constant 1 : i32
      %sub3A_1092 = arith.subi %div3A_1071, %sub3A_1091 : i32
      %select_n3A_1093 = arith.select %and3A_1090, %sub3A_1092, %div3A_1071 : i32
      %jit3A_1094 = arith.constant 4096 : i32
      %eq3A_1095 = arith.constant 0 : i32
      %eq3A_1096 = arith.cmpi eq, %jit3A_1094, %eq3A_1095 : i32
      %jit3A_1097 = arith.constant 1 : i32
      %select_n3A_1098 = arith.select %eq3A_1096, %jit3A_1097, %jit3A_1094 : i32
      %rem3A_1099 = arith.remsi %add3A_1069, %select_n3A_1098 : i32
      %ne3A_1100 = arith.constant 0 : i32
      %ne3A_1101 = arith.cmpi ne, %rem3A_1099, %ne3A_1100 : i32
      %lt3A_1102 = arith.constant 0 : i32
      %lt3A_1103 = arith.cmpi slt, %rem3A_1099, %lt3A_1102 : i32
      %lt3A_1104 = arith.constant 0 : i32
      %lt3A_1105 = arith.cmpi slt, %select_n3A_1098, %lt3A_1104 : i32
      %ne3A_1106 = arith.xori %lt3A_1103, %lt3A_1105 : i1
      %and3A_1107 = arith.andi %ne3A_1106, %ne3A_1101 : i1
      %add3A_1108 = arith.addi %rem3A_1099, %select_n3A_1098 : i32
      %select_n3A_1109 = arith.select %and3A_1107, %add3A_1108, %rem3A_1099 : i32
      %dma_wait3A_1110 = arith.constant 0 : i32
      %dma_wait3A_1111 = tpu.memref_slice %arg4[%select_n3A_1093, %select_n3A_1109, %dma_wait3A_1110] : memref<50x4096x128xf32, #tpu.memory_space<hbm>> -> memref<1x128x128xf32, #tpu.memory_space<hbm>>
      %dma_wait3A_1112 = tpu.memref_squeeze %dma_wait3A_1111 : memref<1x128x128xf32, #tpu.memory_space<hbm>> -> memref<128x128xf32, #tpu.memory_space<hbm>>
      %dma_wait3A_1113 = arith.constant 0 : i32
      %dma_wait3A_1114 = tpu.memref_slice %arg4[%select_n3A_1093, %select_n3A_1109, %dma_wait3A_1113] : memref<50x4096x128xf32, #tpu.memory_space<hbm>> -> memref<1x128x128xf32, #tpu.memory_space<hbm>>
      %dma_wait3A_1115 = tpu.memref_squeeze %dma_wait3A_1114 : memref<1x128x128xf32, #tpu.memory_space<hbm>> -> memref<128x128xf32, #tpu.memory_space<hbm>>
      tpu.wait_dma2 semaphore(%arg19 : memref<!tpu.dma_semaphore, #tpu.memory_space<semaphore_mem>>) src(%arg9 : memref<128x128xf32, #tpu.memory_space<vmem>>) dst(%dma_wait3A_1115 : memref<128x128xf32, #tpu.memory_space<hbm>>)
      %add3A_1116 = arith.constant 2 : i32
      %add3A_1117 = arith.addi %add3A_1064, %add3A_1116 : i32
      %mul3A_1118 = arith.constant 128 : i32
      %mul3A_1119 = arith.muli %add3A_1064, %mul3A_1118 : i32
      %add3A_1120 = arith.addi %mul3A_2, %mul3A_1119 : i32
      %jit3A_1121 = arith.constant 4096 : i32
      %div3A_1122 = arith.divsi %add3A_1120, %jit3A_1121 : i32
      %sign3A_1123 = arith.constant 0 : i32
      %sign3A_1124 = arith.cmpi sgt, %add3A_1120, %sign3A_1123 : i32
      %sign3A_1125 = arith.extui %sign3A_1124 : i1 to i32
      %sign3A_1126 = arith.constant 0 : i32
      %sign3A_1127 = arith.cmpi slt, %add3A_1120, %sign3A_1126 : i32
      %sign3A_1128 = arith.extui %sign3A_1127 : i1 to i32
      %sign3A_1129 = arith.subi %sign3A_1125, %sign3A_1128 : i32
      %sign3A_1130 = arith.constant 0 : i32
      %sign3A_1131 = arith.cmpi sgt, %jit3A_1121, %sign3A_1130 : i32
      %sign3A_1132 = arith.extui %sign3A_1131 : i1 to i32
      %sign3A_1133 = arith.constant 0 : i32
      %sign3A_1134 = arith.cmpi slt, %jit3A_1121, %sign3A_1133 : i32
      %sign3A_1135 = arith.extui %sign3A_1134 : i1 to i32
      %sign3A_1136 = arith.subi %sign3A_1132, %sign3A_1135 : i32
      %ne3A_1137 = arith.cmpi ne, %sign3A_1129, %sign3A_1136 : i32
      %rem3A_1138 = arith.remsi %add3A_1120, %jit3A_1121 : i32
      %ne3A_1139 = arith.constant 0 : i32
      %ne3A_1140 = arith.cmpi ne, %rem3A_1138, %ne3A_1139 : i32
      %and3A_1141 = arith.andi %ne3A_1137, %ne3A_1140 : i1
      %sub3A_1142 = arith.constant 1 : i32
      %sub3A_1143 = arith.subi %div3A_1122, %sub3A_1142 : i32
      %select_n3A_1144 = arith.select %and3A_1141, %sub3A_1143, %div3A_1122 : i32
      %jit3A_1145 = arith.constant 4096 : i32
      %eq3A_1146 = arith.constant 0 : i32
      %eq3A_1147 = arith.cmpi eq, %jit3A_1145, %eq3A_1146 : i32
      %jit3A_1148 = arith.constant 1 : i32
      %select_n3A_1149 = arith.select %eq3A_1147, %jit3A_1148, %jit3A_1145 : i32
      %rem3A_1150 = arith.remsi %add3A_1120, %select_n3A_1149 : i32
      %ne3A_1151 = arith.constant 0 : i32
      %ne3A_1152 = arith.cmpi ne, %rem3A_1150, %ne3A_1151 : i32
      %lt3A_1153 = arith.constant 0 : i32
      %lt3A_1154 = arith.cmpi slt, %rem3A_1150, %lt3A_1153 : i32
      %lt3A_1155 = arith.constant 0 : i32
      %lt3A_1156 = arith.cmpi slt, %select_n3A_1149, %lt3A_1155 : i32
      %ne3A_1157 = arith.xori %lt3A_1154, %lt3A_1156 : i1
      %and3A_1158 = arith.andi %ne3A_1157, %ne3A_1152 : i1
      %add3A_1159 = arith.addi %rem3A_1150, %select_n3A_1149 : i32
      %select_n3A_1160 = arith.select %and3A_1158, %add3A_1159, %rem3A_1150 : i32
      %dma_start3A_1161 = arith.constant 0 : i32
      %dma_start3A_1162 = tpu.memref_slice %arg4[%select_n3A_1144, %select_n3A_1160, %dma_start3A_1161] : memref<50x4096x128xf32, #tpu.memory_space<hbm>> -> memref<1x128x128xf32, #tpu.memory_space<hbm>>
      %dma_start3A_1163 = tpu.memref_squeeze %dma_start3A_1162 : memref<1x128x128xf32, #tpu.memory_space<hbm>> -> memref<128x128xf32, #tpu.memory_space<hbm>>
      %dma_start3A_1164 = arith.constant 0 : i32
      %dma_start3A_1165 = tpu.memref_slice %arg4[%select_n3A_1144, %select_n3A_1160, %dma_start3A_1164] : memref<50x4096x128xf32, #tpu.memory_space<hbm>> -> memref<1x128x128xf32, #tpu.memory_space<hbm>>
      %dma_start3A_1166 = tpu.memref_squeeze %dma_start3A_1165 : memref<1x128x128xf32, #tpu.memory_space<hbm>> -> memref<128x128xf32, #tpu.memory_space<hbm>>
      tpu.enqueue_dma source(%arg7 : memref<128x128xf32, #tpu.memory_space<vmem>>) target(%dma_start3A_1166 : memref<128x128xf32, #tpu.memory_space<hbm>>) target_semaphore(%arg17 : memref<!tpu.dma_semaphore, #tpu.memory_space<semaphore_mem>>)
      %add3A_1167 = arith.constant 2 : i32
      %add3A_1168 = arith.addi %mul3A_958, %add3A_1167 : i32
      %sub3A_1169 = arith.constant 3 : i32
      %sub3A_1170 = arith.subi %add3A_1168, %sub3A_1169 : i32
      %mul3A_1171 = arith.constant 128 : i32
      %mul3A_1172 = arith.muli %sub3A_1170, %mul3A_1171 : i32
      %add3A_1173 = arith.addi %mul3A_2, %mul3A_1172 : i32
      %jit3A_1174 = arith.constant 4096 : i32
      %div3A_1175 = arith.divsi %add3A_1173, %jit3A_1174 : i32
      %sign3A_1176 = arith.constant 0 : i32
      %sign3A_1177 = arith.cmpi sgt, %add3A_1173, %sign3A_1176 : i32
      %sign3A_1178 = arith.extui %sign3A_1177 : i1 to i32
      %sign3A_1179 = arith.constant 0 : i32
      %sign3A_1180 = arith.cmpi slt, %add3A_1173, %sign3A_1179 : i32
      %sign3A_1181 = arith.extui %sign3A_1180 : i1 to i32
      %sign3A_1182 = arith.subi %sign3A_1178, %sign3A_1181 : i32
      %sign3A_1183 = arith.constant 0 : i32
      %sign3A_1184 = arith.cmpi sgt, %jit3A_1174, %sign3A_1183 : i32
      %sign3A_1185 = arith.extui %sign3A_1184 : i1 to i32
      %sign3A_1186 = arith.constant 0 : i32
      %sign3A_1187 = arith.cmpi slt, %jit3A_1174, %sign3A_1186 : i32
      %sign3A_1188 = arith.extui %sign3A_1187 : i1 to i32
      %sign3A_1189 = arith.subi %sign3A_1185, %sign3A_1188 : i32
      %ne3A_1190 = arith.cmpi ne, %sign3A_1182, %sign3A_1189 : i32
      %rem3A_1191 = arith.remsi %add3A_1173, %jit3A_1174 : i32
      %ne3A_1192 = arith.constant 0 : i32
      %ne3A_1193 = arith.cmpi ne, %rem3A_1191, %ne3A_1192 : i32
      %and3A_1194 = arith.andi %ne3A_1190, %ne3A_1193 : i1
      %sub3A_1195 = arith.constant 1 : i32
      %sub3A_1196 = arith.subi %div3A_1175, %sub3A_1195 : i32
      %select_n3A_1197 = arith.select %and3A_1194, %sub3A_1196, %div3A_1175 : i32
      %jit3A_1198 = arith.constant 4096 : i32
      %eq3A_1199 = arith.constant 0 : i32
      %eq3A_1200 = arith.cmpi eq, %jit3A_1198, %eq3A_1199 : i32
      %jit3A_1201 = arith.constant 1 : i32
      %select_n3A_1202 = arith.select %eq3A_1200, %jit3A_1201, %jit3A_1198 : i32
      %rem3A_1203 = arith.remsi %add3A_1173, %select_n3A_1202 : i32
      %ne3A_1204 = arith.constant 0 : i32
      %ne3A_1205 = arith.cmpi ne, %rem3A_1203, %ne3A_1204 : i32
      %lt3A_1206 = arith.constant 0 : i32
      %lt3A_1207 = arith.cmpi slt, %rem3A_1203, %lt3A_1206 : i32
      %lt3A_1208 = arith.constant 0 : i32
      %lt3A_1209 = arith.cmpi slt, %select_n3A_1202, %lt3A_1208 : i32
      %ne3A_1210 = arith.xori %lt3A_1207, %lt3A_1209 : i1
      %and3A_1211 = arith.andi %ne3A_1210, %ne3A_1205 : i1
      %add3A_1212 = arith.addi %rem3A_1203, %select_n3A_1202 : i32
      %select_n3A_1213 = arith.select %and3A_1211, %add3A_1212, %rem3A_1203 : i32
      %dma_wait3A_1214 = arith.constant 0 : i32
      %dma_wait3A_1215 = tpu.memref_slice %arg4[%select_n3A_1197, %select_n3A_1213, %dma_wait3A_1214] : memref<50x4096x128xf32, #tpu.memory_space<hbm>> -> memref<1x128x128xf32, #tpu.memory_space<hbm>>
      %dma_wait3A_1216 = tpu.memref_squeeze %dma_wait3A_1215 : memref<1x128x128xf32, #tpu.memory_space<hbm>> -> memref<128x128xf32, #tpu.memory_space<hbm>>
      %dma_wait3A_1217 = arith.constant 0 : i32
      %dma_wait3A_1218 = tpu.memref_slice %arg4[%select_n3A_1197, %select_n3A_1213, %dma_wait3A_1217] : memref<50x4096x128xf32, #tpu.memory_space<hbm>> -> memref<1x128x128xf32, #tpu.memory_space<hbm>>
      %dma_wait3A_1219 = tpu.memref_squeeze %dma_wait3A_1218 : memref<1x128x128xf32, #tpu.memory_space<hbm>> -> memref<128x128xf32, #tpu.memory_space<hbm>>
      tpu.wait_dma2 semaphore(%arg20 : memref<!tpu.dma_semaphore, #tpu.memory_space<semaphore_mem>>) src(%arg10 : memref<128x128xf32, #tpu.memory_space<vmem>>) dst(%dma_wait3A_1219 : memref<128x128xf32, #tpu.memory_space<hbm>>)
      %add3A_1220 = arith.constant 2 : i32
      %add3A_1221 = arith.addi %add3A_1168, %add3A_1220 : i32
      %mul3A_1222 = arith.constant 128 : i32
      %mul3A_1223 = arith.muli %add3A_1168, %mul3A_1222 : i32
      %add3A_1224 = arith.addi %mul3A_2, %mul3A_1223 : i32
      %jit3A_1225 = arith.constant 4096 : i32
      %div3A_1226 = arith.divsi %add3A_1224, %jit3A_1225 : i32
      %sign3A_1227 = arith.constant 0 : i32
      %sign3A_1228 = arith.cmpi sgt, %add3A_1224, %sign3A_1227 : i32
      %sign3A_1229 = arith.extui %sign3A_1228 : i1 to i32
      %sign3A_1230 = arith.constant 0 : i32
      %sign3A_1231 = arith.cmpi slt, %add3A_1224, %sign3A_1230 : i32
      %sign3A_1232 = arith.extui %sign3A_1231 : i1 to i32
      %sign3A_1233 = arith.subi %sign3A_1229, %sign3A_1232 : i32
      %sign3A_1234 = arith.constant 0 : i32
      %sign3A_1235 = arith.cmpi sgt, %jit3A_1225, %sign3A_1234 : i32
      %sign3A_1236 = arith.extui %sign3A_1235 : i1 to i32
      %sign3A_1237 = arith.constant 0 : i32
      %sign3A_1238 = arith.cmpi slt, %jit3A_1225, %sign3A_1237 : i32
      %sign3A_1239 = arith.extui %sign3A_1238 : i1 to i32
      %sign3A_1240 = arith.subi %sign3A_1236, %sign3A_1239 : i32
      %ne3A_1241 = arith.cmpi ne, %sign3A_1233, %sign3A_1240 : i32
      %rem3A_1242 = arith.remsi %add3A_1224, %jit3A_1225 : i32
      %ne3A_1243 = arith.constant 0 : i32
      %ne3A_1244 = arith.cmpi ne, %rem3A_1242, %ne3A_1243 : i32
      %and3A_1245 = arith.andi %ne3A_1241, %ne3A_1244 : i1
      %sub3A_1246 = arith.constant 1 : i32
      %sub3A_1247 = arith.subi %div3A_1226, %sub3A_1246 : i32
      %select_n3A_1248 = arith.select %and3A_1245, %sub3A_1247, %div3A_1226 : i32
      %jit3A_1249 = arith.constant 4096 : i32
      %eq3A_1250 = arith.constant 0 : i32
      %eq3A_1251 = arith.cmpi eq, %jit3A_1249, %eq3A_1250 : i32
      %jit3A_1252 = arith.constant 1 : i32
      %select_n3A_1253 = arith.select %eq3A_1251, %jit3A_1252, %jit3A_1249 : i32
      %rem3A_1254 = arith.remsi %add3A_1224, %select_n3A_1253 : i32
      %ne3A_1255 = arith.constant 0 : i32
      %ne3A_1256 = arith.cmpi ne, %rem3A_1254, %ne3A_1255 : i32
      %lt3A_1257 = arith.constant 0 : i32
      %lt3A_1258 = arith.cmpi slt, %rem3A_1254, %lt3A_1257 : i32
      %lt3A_1259 = arith.constant 0 : i32
      %lt3A_1260 = arith.cmpi slt, %select_n3A_1253, %lt3A_1259 : i32
      %ne3A_1261 = arith.xori %lt3A_1258, %lt3A_1260 : i1
      %and3A_1262 = arith.andi %ne3A_1261, %ne3A_1256 : i1
      %add3A_1263 = arith.addi %rem3A_1254, %select_n3A_1253 : i32
      %select_n3A_1264 = arith.select %and3A_1262, %add3A_1263, %rem3A_1254 : i32
      %dma_start3A_1265 = arith.constant 0 : i32
      %dma_start3A_1266 = tpu.memref_slice %arg4[%select_n3A_1248, %select_n3A_1264, %dma_start3A_1265] : memref<50x4096x128xf32, #tpu.memory_space<hbm>> -> memref<1x128x128xf32, #tpu.memory_space<hbm>>
      %dma_start3A_1267 = tpu.memref_squeeze %dma_start3A_1266 : memref<1x128x128xf32, #tpu.memory_space<hbm>> -> memref<128x128xf32, #tpu.memory_space<hbm>>
      %dma_start3A_1268 = arith.constant 0 : i32
      %dma_start3A_1269 = tpu.memref_slice %arg4[%select_n3A_1248, %select_n3A_1264, %dma_start3A_1268] : memref<50x4096x128xf32, #tpu.memory_space<hbm>> -> memref<1x128x128xf32, #tpu.memory_space<hbm>>
      %dma_start3A_1270 = tpu.memref_squeeze %dma_start3A_1269 : memref<1x128x128xf32, #tpu.memory_space<hbm>> -> memref<128x128xf32, #tpu.memory_space<hbm>>
      tpu.enqueue_dma source(%arg8 : memref<128x128xf32, #tpu.memory_space<vmem>>) target(%dma_start3A_1270 : memref<128x128xf32, #tpu.memory_space<hbm>>) target_semaphore(%arg18 : memref<!tpu.dma_semaphore, #tpu.memory_space<semaphore_mem>>)
      %add3A_1271 = arith.constant 3 : i32
      %add3A_1272 = arith.addi %mul3A_958, %add3A_1271 : i32
      %sub3A_1273 = arith.constant 3 : i32
      %sub3A_1274 = arith.subi %add3A_1272, %sub3A_1273 : i32
      %mul3A_1275 = arith.constant 128 : i32
      %mul3A_1276 = arith.muli %sub3A_1274, %mul3A_1275 : i32
      %add3A_1277 = arith.addi %mul3A_2, %mul3A_1276 : i32
      %jit3A_1278 = arith.constant 4096 : i32
      %div3A_1279 = arith.divsi %add3A_1277, %jit3A_1278 : i32
      %sign3A_1280 = arith.constant 0 : i32
      %sign3A_1281 = arith.cmpi sgt, %add3A_1277, %sign3A_1280 : i32
      %sign3A_1282 = arith.extui %sign3A_1281 : i1 to i32
      %sign3A_1283 = arith.constant 0 : i32
      %sign3A_1284 = arith.cmpi slt, %add3A_1277, %sign3A_1283 : i32
      %sign3A_1285 = arith.extui %sign3A_1284 : i1 to i32
      %sign3A_1286 = arith.subi %sign3A_1282, %sign3A_1285 : i32
      %sign3A_1287 = arith.constant 0 : i32
      %sign3A_1288 = arith.cmpi sgt, %jit3A_1278, %sign3A_1287 : i32
      %sign3A_1289 = arith.extui %sign3A_1288 : i1 to i32
      %sign3A_1290 = arith.constant 0 : i32
      %sign3A_1291 = arith.cmpi slt, %jit3A_1278, %sign3A_1290 : i32
      %sign3A_1292 = arith.extui %sign3A_1291 : i1 to i32
      %sign3A_1293 = arith.subi %sign3A_1289, %sign3A_1292 : i32
      %ne3A_1294 = arith.cmpi ne, %sign3A_1286, %sign3A_1293 : i32
      %rem3A_1295 = arith.remsi %add3A_1277, %jit3A_1278 : i32
      %ne3A_1296 = arith.constant 0 : i32
      %ne3A_1297 = arith.cmpi ne, %rem3A_1295, %ne3A_1296 : i32
      %and3A_1298 = arith.andi %ne3A_1294, %ne3A_1297 : i1
      %sub3A_1299 = arith.constant 1 : i32
      %sub3A_1300 = arith.subi %div3A_1279, %sub3A_1299 : i32
      %select_n3A_1301 = arith.select %and3A_1298, %sub3A_1300, %div3A_1279 : i32
      %jit3A_1302 = arith.constant 4096 : i32
      %eq3A_1303 = arith.constant 0 : i32
      %eq3A_1304 = arith.cmpi eq, %jit3A_1302, %eq3A_1303 : i32
      %jit3A_1305 = arith.constant 1 : i32
      %select_n3A_1306 = arith.select %eq3A_1304, %jit3A_1305, %jit3A_1302 : i32
      %rem3A_1307 = arith.remsi %add3A_1277, %select_n3A_1306 : i32
      %ne3A_1308 = arith.constant 0 : i32
      %ne3A_1309 = arith.cmpi ne, %rem3A_1307, %ne3A_1308 : i32
      %lt3A_1310 = arith.constant 0 : i32
      %lt3A_1311 = arith.cmpi slt, %rem3A_1307, %lt3A_1310 : i32
      %lt3A_1312 = arith.constant 0 : i32
      %lt3A_1313 = arith.cmpi slt, %select_n3A_1306, %lt3A_1312 : i32
      %ne3A_1314 = arith.xori %lt3A_1311, %lt3A_1313 : i1
      %and3A_1315 = arith.andi %ne3A_1314, %ne3A_1309 : i1
      %add3A_1316 = arith.addi %rem3A_1307, %select_n3A_1306 : i32
      %select_n3A_1317 = arith.select %and3A_1315, %add3A_1316, %rem3A_1307 : i32
      %dma_wait3A_1318 = arith.constant 0 : i32
      %dma_wait3A_1319 = tpu.memref_slice %arg4[%select_n3A_1301, %select_n3A_1317, %dma_wait3A_1318] : memref<50x4096x128xf32, #tpu.memory_space<hbm>> -> memref<1x128x128xf32, #tpu.memory_space<hbm>>
      %dma_wait3A_1320 = tpu.memref_squeeze %dma_wait3A_1319 : memref<1x128x128xf32, #tpu.memory_space<hbm>> -> memref<128x128xf32, #tpu.memory_space<hbm>>
      %dma_wait3A_1321 = arith.constant 0 : i32
      %dma_wait3A_1322 = tpu.memref_slice %arg4[%select_n3A_1301, %select_n3A_1317, %dma_wait3A_1321] : memref<50x4096x128xf32, #tpu.memory_space<hbm>> -> memref<1x128x128xf32, #tpu.memory_space<hbm>>
      %dma_wait3A_1323 = tpu.memref_squeeze %dma_wait3A_1322 : memref<1x128x128xf32, #tpu.memory_space<hbm>> -> memref<128x128xf32, #tpu.memory_space<hbm>>
      tpu.wait_dma2 semaphore(%arg16 : memref<!tpu.dma_semaphore, #tpu.memory_space<semaphore_mem>>) src(%arg6 : memref<128x128xf32, #tpu.memory_space<vmem>>) dst(%dma_wait3A_1323 : memref<128x128xf32, #tpu.memory_space<hbm>>)
      %add3A_1324 = arith.constant 2 : i32
      %add3A_1325 = arith.addi %add3A_1272, %add3A_1324 : i32
      %mul3A_1326 = arith.constant 128 : i32
      %mul3A_1327 = arith.muli %add3A_1272, %mul3A_1326 : i32
      %add3A_1328 = arith.addi %mul3A_2, %mul3A_1327 : i32
      %jit3A_1329 = arith.constant 4096 : i32
      %div3A_1330 = arith.divsi %add3A_1328, %jit3A_1329 : i32
      %sign3A_1331 = arith.constant 0 : i32
      %sign3A_1332 = arith.cmpi sgt, %add3A_1328, %sign3A_1331 : i32
      %sign3A_1333 = arith.extui %sign3A_1332 : i1 to i32
      %sign3A_1334 = arith.constant 0 : i32
      %sign3A_1335 = arith.cmpi slt, %add3A_1328, %sign3A_1334 : i32
      %sign3A_1336 = arith.extui %sign3A_1335 : i1 to i32
      %sign3A_1337 = arith.subi %sign3A_1333, %sign3A_1336 : i32
      %sign3A_1338 = arith.constant 0 : i32
      %sign3A_1339 = arith.cmpi sgt, %jit3A_1329, %sign3A_1338 : i32
      %sign3A_1340 = arith.extui %sign3A_1339 : i1 to i32
      %sign3A_1341 = arith.constant 0 : i32
      %sign3A_1342 = arith.cmpi slt, %jit3A_1329, %sign3A_1341 : i32
      %sign3A_1343 = arith.extui %sign3A_1342 : i1 to i32
      %sign3A_1344 = arith.subi %sign3A_1340, %sign3A_1343 : i32
      %ne3A_1345 = arith.cmpi ne, %sign3A_1337, %sign3A_1344 : i32
      %rem3A_1346 = arith.remsi %add3A_1328, %jit3A_1329 : i32
      %ne3A_1347 = arith.constant 0 : i32
      %ne3A_1348 = arith.cmpi ne, %rem3A_1346, %ne3A_1347 : i32
      %and3A_1349 = arith.andi %ne3A_1345, %ne3A_1348 : i1
      %sub3A_1350 = arith.constant 1 : i32
      %sub3A_1351 = arith.subi %div3A_1330, %sub3A_1350 : i32
      %select_n3A_1352 = arith.select %and3A_1349, %sub3A_1351, %div3A_1330 : i32
      %jit3A_1353 = arith.constant 4096 : i32
      %eq3A_1354 = arith.constant 0 : i32
      %eq3A_1355 = arith.cmpi eq, %jit3A_1353, %eq3A_1354 : i32
      %jit3A_1356 = arith.constant 1 : i32
      %select_n3A_1357 = arith.select %eq3A_1355, %jit3A_1356, %jit3A_1353 : i32
      %rem3A_1358 = arith.remsi %add3A_1328, %select_n3A_1357 : i32
      %ne3A_1359 = arith.constant 0 : i32
      %ne3A_1360 = arith.cmpi ne, %rem3A_1358, %ne3A_1359 : i32
      %lt3A_1361 = arith.constant 0 : i32
      %lt3A_1362 = arith.cmpi slt, %rem3A_1358, %lt3A_1361 : i32
      %lt3A_1363 = arith.constant 0 : i32
      %lt3A_1364 = arith.cmpi slt, %select_n3A_1357, %lt3A_1363 : i32
      %ne3A_1365 = arith.xori %lt3A_1362, %lt3A_1364 : i1
      %and3A_1366 = arith.andi %ne3A_1365, %ne3A_1360 : i1
      %add3A_1367 = arith.addi %rem3A_1358, %select_n3A_1357 : i32
      %select_n3A_1368 = arith.select %and3A_1366, %add3A_1367, %rem3A_1358 : i32
      %dma_start3A_1369 = arith.constant 0 : i32
      %dma_start3A_1370 = tpu.memref_slice %arg4[%select_n3A_1352, %select_n3A_1368, %dma_start3A_1369] : memref<50x4096x128xf32, #tpu.memory_space<hbm>> -> memref<1x128x128xf32, #tpu.memory_space<hbm>>
      %dma_start3A_1371 = tpu.memref_squeeze %dma_start3A_1370 : memref<1x128x128xf32, #tpu.memory_space<hbm>> -> memref<128x128xf32, #tpu.memory_space<hbm>>
      %dma_start3A_1372 = arith.constant 0 : i32
      %dma_start3A_1373 = tpu.memref_slice %arg4[%select_n3A_1352, %select_n3A_1368, %dma_start3A_1372] : memref<50x4096x128xf32, #tpu.memory_space<hbm>> -> memref<1x128x128xf32, #tpu.memory_space<hbm>>
      %dma_start3A_1374 = tpu.memref_squeeze %dma_start3A_1373 : memref<1x128x128xf32, #tpu.memory_space<hbm>> -> memref<128x128xf32, #tpu.memory_space<hbm>>
      tpu.enqueue_dma source(%arg9 : memref<128x128xf32, #tpu.memory_space<vmem>>) target(%dma_start3A_1374 : memref<128x128xf32, #tpu.memory_space<hbm>>) target_semaphore(%arg19 : memref<!tpu.dma_semaphore, #tpu.memory_space<semaphore_mem>>)
      %add3A_1375 = arith.constant 4 : i32
      %add3A_1376 = arith.addi %mul3A_958, %add3A_1375 : i32
      %sub3A_1377 = arith.constant 3 : i32
      %sub3A_1378 = arith.subi %add3A_1376, %sub3A_1377 : i32
      %mul3A_1379 = arith.constant 128 : i32
      %mul3A_1380 = arith.muli %sub3A_1378, %mul3A_1379 : i32
      %add3A_1381 = arith.addi %mul3A_2, %mul3A_1380 : i32
      %jit3A_1382 = arith.constant 4096 : i32
      %div3A_1383 = arith.divsi %add3A_1381, %jit3A_1382 : i32
      %sign3A_1384 = arith.constant 0 : i32
      %sign3A_1385 = arith.cmpi sgt, %add3A_1381, %sign3A_1384 : i32
      %sign3A_1386 = arith.extui %sign3A_1385 : i1 to i32
      %sign3A_1387 = arith.constant 0 : i32
      %sign3A_1388 = arith.cmpi slt, %add3A_1381, %sign3A_1387 : i32
      %sign3A_1389 = arith.extui %sign3A_1388 : i1 to i32
      %sign3A_1390 = arith.subi %sign3A_1386, %sign3A_1389 : i32
      %sign3A_1391 = arith.constant 0 : i32
      %sign3A_1392 = arith.cmpi sgt, %jit3A_1382, %sign3A_1391 : i32
      %sign3A_1393 = arith.extui %sign3A_1392 : i1 to i32
      %sign3A_1394 = arith.constant 0 : i32
      %sign3A_1395 = arith.cmpi slt, %jit3A_1382, %sign3A_1394 : i32
      %sign3A_1396 = arith.extui %sign3A_1395 : i1 to i32
      %sign3A_1397 = arith.subi %sign3A_1393, %sign3A_1396 : i32
      %ne3A_1398 = arith.cmpi ne, %sign3A_1390, %sign3A_1397 : i32
      %rem3A_1399 = arith.remsi %add3A_1381, %jit3A_1382 : i32
      %ne3A_1400 = arith.constant 0 : i32
      %ne3A_1401 = arith.cmpi ne, %rem3A_1399, %ne3A_1400 : i32
      %and3A_1402 = arith.andi %ne3A_1398, %ne3A_1401 : i1
      %sub3A_1403 = arith.constant 1 : i32
      %sub3A_1404 = arith.subi %div3A_1383, %sub3A_1403 : i32
      %select_n3A_1405 = arith.select %and3A_1402, %sub3A_1404, %div3A_1383 : i32
      %jit3A_1406 = arith.constant 4096 : i32
      %eq3A_1407 = arith.constant 0 : i32
      %eq3A_1408 = arith.cmpi eq, %jit3A_1406, %eq3A_1407 : i32
      %jit3A_1409 = arith.constant 1 : i32
      %select_n3A_1410 = arith.select %eq3A_1408, %jit3A_1409, %jit3A_1406 : i32
      %rem3A_1411 = arith.remsi %add3A_1381, %select_n3A_1410 : i32
      %ne3A_1412 = arith.constant 0 : i32
      %ne3A_1413 = arith.cmpi ne, %rem3A_1411, %ne3A_1412 : i32
      %lt3A_1414 = arith.constant 0 : i32
      %lt3A_1415 = arith.cmpi slt, %rem3A_1411, %lt3A_1414 : i32
      %lt3A_1416 = arith.constant 0 : i32
      %lt3A_1417 = arith.cmpi slt, %select_n3A_1410, %lt3A_1416 : i32
      %ne3A_1418 = arith.xori %lt3A_1415, %lt3A_1417 : i1
      %and3A_1419 = arith.andi %ne3A_1418, %ne3A_1413 : i1
      %add3A_1420 = arith.addi %rem3A_1411, %select_n3A_1410 : i32
      %select_n3A_1421 = arith.select %and3A_1419, %add3A_1420, %rem3A_1411 : i32
      %dma_wait3A_1422 = arith.constant 0 : i32
      %dma_wait3A_1423 = tpu.memref_slice %arg4[%select_n3A_1405, %select_n3A_1421, %dma_wait3A_1422] : memref<50x4096x128xf32, #tpu.memory_space<hbm>> -> memref<1x128x128xf32, #tpu.memory_space<hbm>>
      %dma_wait3A_1424 = tpu.memref_squeeze %dma_wait3A_1423 : memref<1x128x128xf32, #tpu.memory_space<hbm>> -> memref<128x128xf32, #tpu.memory_space<hbm>>
      %dma_wait3A_1425 = arith.constant 0 : i32
      %dma_wait3A_1426 = tpu.memref_slice %arg4[%select_n3A_1405, %select_n3A_1421, %dma_wait3A_1425] : memref<50x4096x128xf32, #tpu.memory_space<hbm>> -> memref<1x128x128xf32, #tpu.memory_space<hbm>>
      %dma_wait3A_1427 = tpu.memref_squeeze %dma_wait3A_1426 : memref<1x128x128xf32, #tpu.memory_space<hbm>> -> memref<128x128xf32, #tpu.memory_space<hbm>>
      tpu.wait_dma2 semaphore(%arg17 : memref<!tpu.dma_semaphore, #tpu.memory_space<semaphore_mem>>) src(%arg7 : memref<128x128xf32, #tpu.memory_space<vmem>>) dst(%dma_wait3A_1427 : memref<128x128xf32, #tpu.memory_space<hbm>>)
      %add3A_1428 = arith.constant 2 : i32
      %add3A_1429 = arith.addi %add3A_1376, %add3A_1428 : i32
      %mul3A_1430 = arith.constant 128 : i32
      %mul3A_1431 = arith.muli %add3A_1376, %mul3A_1430 : i32
      %add3A_1432 = arith.addi %mul3A_2, %mul3A_1431 : i32
      %jit3A_1433 = arith.constant 4096 : i32
      %div3A_1434 = arith.divsi %add3A_1432, %jit3A_1433 : i32
      %sign3A_1435 = arith.constant 0 : i32
      %sign3A_1436 = arith.cmpi sgt, %add3A_1432, %sign3A_1435 : i32
      %sign3A_1437 = arith.extui %sign3A_1436 : i1 to i32
      %sign3A_1438 = arith.constant 0 : i32
      %sign3A_1439 = arith.cmpi slt, %add3A_1432, %sign3A_1438 : i32
      %sign3A_1440 = arith.extui %sign3A_1439 : i1 to i32
      %sign3A_1441 = arith.subi %sign3A_1437, %sign3A_1440 : i32
      %sign3A_1442 = arith.constant 0 : i32
      %sign3A_1443 = arith.cmpi sgt, %jit3A_1433, %sign3A_1442 : i32
      %sign3A_1444 = arith.extui %sign3A_1443 : i1 to i32
      %sign3A_1445 = arith.constant 0 : i32
      %sign3A_1446 = arith.cmpi slt, %jit3A_1433, %sign3A_1445 : i32
      %sign3A_1447 = arith.extui %sign3A_1446 : i1 to i32
      %sign3A_1448 = arith.subi %sign3A_1444, %sign3A_1447 : i32
      %ne3A_1449 = arith.cmpi ne, %sign3A_1441, %sign3A_1448 : i32
      %rem3A_1450 = arith.remsi %add3A_1432, %jit3A_1433 : i32
      %ne3A_1451 = arith.constant 0 : i32
      %ne3A_1452 = arith.cmpi ne, %rem3A_1450, %ne3A_1451 : i32
      %and3A_1453 = arith.andi %ne3A_1449, %ne3A_1452 : i1
      %sub3A_1454 = arith.constant 1 : i32
      %sub3A_1455 = arith.subi %div3A_1434, %sub3A_1454 : i32
      %select_n3A_1456 = arith.select %and3A_1453, %sub3A_1455, %div3A_1434 : i32
      %jit3A_1457 = arith.constant 4096 : i32
      %eq3A_1458 = arith.constant 0 : i32
      %eq3A_1459 = arith.cmpi eq, %jit3A_1457, %eq3A_1458 : i32
      %jit3A_1460 = arith.constant 1 : i32
      %select_n3A_1461 = arith.select %eq3A_1459, %jit3A_1460, %jit3A_1457 : i32
      %rem3A_1462 = arith.remsi %add3A_1432, %select_n3A_1461 : i32
      %ne3A_1463 = arith.constant 0 : i32
      %ne3A_1464 = arith.cmpi ne, %rem3A_1462, %ne3A_1463 : i32
      %lt3A_1465 = arith.constant 0 : i32
      %lt3A_1466 = arith.cmpi slt, %rem3A_1462, %lt3A_1465 : i32
      %lt3A_1467 = arith.constant 0 : i32
      %lt3A_1468 = arith.cmpi slt, %select_n3A_1461, %lt3A_1467 : i32
      %ne3A_1469 = arith.xori %lt3A_1466, %lt3A_1468 : i1
      %and3A_1470 = arith.andi %ne3A_1469, %ne3A_1464 : i1
      %add3A_1471 = arith.addi %rem3A_1462, %select_n3A_1461 : i32
      %select_n3A_1472 = arith.select %and3A_1470, %add3A_1471, %rem3A_1462 : i32
      %dma_start3A_1473 = arith.constant 0 : i32
      %dma_start3A_1474 = tpu.memref_slice %arg4[%select_n3A_1456, %select_n3A_1472, %dma_start3A_1473] : memref<50x4096x128xf32, #tpu.memory_space<hbm>> -> memref<1x128x128xf32, #tpu.memory_space<hbm>>
      %dma_start3A_1475 = tpu.memref_squeeze %dma_start3A_1474 : memref<1x128x128xf32, #tpu.memory_space<hbm>> -> memref<128x128xf32, #tpu.memory_space<hbm>>
      %dma_start3A_1476 = arith.constant 0 : i32
      %dma_start3A_1477 = tpu.memref_slice %arg4[%select_n3A_1456, %select_n3A_1472, %dma_start3A_1476] : memref<50x4096x128xf32, #tpu.memory_space<hbm>> -> memref<1x128x128xf32, #tpu.memory_space<hbm>>
      %dma_start3A_1478 = tpu.memref_squeeze %dma_start3A_1477 : memref<1x128x128xf32, #tpu.memory_space<hbm>> -> memref<128x128xf32, #tpu.memory_space<hbm>>
      tpu.enqueue_dma source(%arg10 : memref<128x128xf32, #tpu.memory_space<vmem>>) target(%dma_start3A_1478 : memref<128x128xf32, #tpu.memory_space<hbm>>) target_semaphore(%arg20 : memref<!tpu.dma_semaphore, #tpu.memory_space<semaphore_mem>>)
    }
    %scan3A_331 = arith.constant 8 : i32
    %add3A_332 = arith.constant 5376 : i32
    %add3A_333 = arith.addi %mul3A_2, %add3A_332 : i32
    %jit3A_334 = arith.constant 4096 : i32
    %div3A_335 = arith.divsi %add3A_333, %jit3A_334 : i32
    %sign3A_336 = arith.constant 0 : i32
    %sign3A_337 = arith.cmpi sgt, %add3A_333, %sign3A_336 : i32
    %sign3A_338 = arith.extui %sign3A_337 : i1 to i32
    %sign3A_339 = arith.constant 0 : i32
    %sign3A_340 = arith.cmpi slt, %add3A_333, %sign3A_339 : i32
    %sign3A_341 = arith.extui %sign3A_340 : i1 to i32
    %sign3A_342 = arith.subi %sign3A_338, %sign3A_341 : i32
    %sign3A_343 = arith.constant 0 : i32
    %sign3A_344 = arith.cmpi sgt, %jit3A_334, %sign3A_343 : i32
    %sign3A_345 = arith.extui %sign3A_344 : i1 to i32
    %sign3A_346 = arith.constant 0 : i32
    %sign3A_347 = arith.cmpi slt, %jit3A_334, %sign3A_346 : i32
    %sign3A_348 = arith.extui %sign3A_347 : i1 to i32
    %sign3A_349 = arith.subi %sign3A_345, %sign3A_348 : i32
    %ne3A_350 = arith.cmpi ne, %sign3A_342, %sign3A_349 : i32
    %rem3A_351 = arith.remsi %add3A_333, %jit3A_334 : i32
    %ne3A_352 = arith.constant 0 : i32
    %ne3A_353 = arith.cmpi ne, %rem3A_351, %ne3A_352 : i32
    %and3A_354 = arith.andi %ne3A_350, %ne3A_353 : i1
    %sub3A_355 = arith.constant 1 : i32
    %sub3A_356 = arith.subi %div3A_335, %sub3A_355 : i32
    %select_n3A_357 = arith.select %and3A_354, %sub3A_356, %div3A_335 : i32
    %jit3A_358 = arith.constant 4096 : i32
    %eq3A_359 = arith.constant 0 : i32
    %eq3A_360 = arith.cmpi eq, %jit3A_358, %eq3A_359 : i32
    %jit3A_361 = arith.constant 1 : i32
    %select_n3A_362 = arith.select %eq3A_360, %jit3A_361, %jit3A_358 : i32
    %rem3A_363 = arith.remsi %add3A_333, %select_n3A_362 : i32
    %ne3A_364 = arith.constant 0 : i32
    %ne3A_365 = arith.cmpi ne, %rem3A_363, %ne3A_364 : i32
    %lt3A_366 = arith.constant 0 : i32
    %lt3A_367 = arith.cmpi slt, %rem3A_363, %lt3A_366 : i32
    %lt3A_368 = arith.constant 0 : i32
    %lt3A_369 = arith.cmpi slt, %select_n3A_362, %lt3A_368 : i32
    %ne3A_370 = arith.xori %lt3A_367, %lt3A_369 : i1
    %and3A_371 = arith.andi %ne3A_370, %ne3A_365 : i1
    %add3A_372 = arith.addi %rem3A_363, %select_n3A_362 : i32
    %select_n3A_373 = arith.select %and3A_371, %add3A_372, %rem3A_363 : i32
    %dma_wait3A_374 = arith.constant 0 : i32
    %dma_wait3A_375 = tpu.memref_slice %arg4[%select_n3A_357, %select_n3A_373, %dma_wait3A_374] : memref<50x4096x128xf32, #tpu.memory_space<hbm>> -> memref<1x128x128xf32, #tpu.memory_space<hbm>>
    %dma_wait3A_376 = tpu.memref_squeeze %dma_wait3A_375 : memref<1x128x128xf32, #tpu.memory_space<hbm>> -> memref<128x128xf32, #tpu.memory_space<hbm>>
    %dma_wait3A_377 = arith.constant 0 : i32
    %dma_wait3A_378 = tpu.memref_slice %arg4[%select_n3A_357, %select_n3A_373, %dma_wait3A_377] : memref<50x4096x128xf32, #tpu.memory_space<hbm>> -> memref<1x128x128xf32, #tpu.memory_space<hbm>>
    %dma_wait3A_379 = tpu.memref_squeeze %dma_wait3A_378 : memref<1x128x128xf32, #tpu.memory_space<hbm>> -> memref<128x128xf32, #tpu.memory_space<hbm>>
    tpu.wait_dma2 semaphore(%arg18 : memref<!tpu.dma_semaphore, #tpu.memory_space<semaphore_mem>>) src(%arg8 : memref<128x128xf32, #tpu.memory_space<vmem>>) dst(%dma_wait3A_379 : memref<128x128xf32, #tpu.memory_space<hbm>>)
    %add3A_380 = arith.constant 5760 : i32
    %add3A_381 = arith.addi %mul3A_2, %add3A_380 : i32
    %jit3A_382 = arith.constant 4096 : i32
    %div3A_383 = arith.divsi %add3A_381, %jit3A_382 : i32
    %sign3A_384 = arith.constant 0 : i32
    %sign3A_385 = arith.cmpi sgt, %add3A_381, %sign3A_384 : i32
    %sign3A_386 = arith.extui %sign3A_385 : i1 to i32
    %sign3A_387 = arith.constant 0 : i32
    %sign3A_388 = arith.cmpi slt, %add3A_381, %sign3A_387 : i32
    %sign3A_389 = arith.extui %sign3A_388 : i1 to i32
    %sign3A_390 = arith.subi %sign3A_386, %sign3A_389 : i32
    %sign3A_391 = arith.constant 0 : i32
    %sign3A_392 = arith.cmpi sgt, %jit3A_382, %sign3A_391 : i32
    %sign3A_393 = arith.extui %sign3A_392 : i1 to i32
    %sign3A_394 = arith.constant 0 : i32
    %sign3A_395 = arith.cmpi slt, %jit3A_382, %sign3A_394 : i32
    %sign3A_396 = arith.extui %sign3A_395 : i1 to i32
    %sign3A_397 = arith.subi %sign3A_393, %sign3A_396 : i32
    %ne3A_398 = arith.cmpi ne, %sign3A_390, %sign3A_397 : i32
    %rem3A_399 = arith.remsi %add3A_381, %jit3A_382 : i32
    %ne3A_400 = arith.constant 0 : i32
    %ne3A_401 = arith.cmpi ne, %rem3A_399, %ne3A_400 : i32
    %and3A_402 = arith.andi %ne3A_398, %ne3A_401 : i1
    %sub3A_403 = arith.constant 1 : i32
    %sub3A_404 = arith.subi %div3A_383, %sub3A_403 : i32
    %select_n3A_405 = arith.select %and3A_402, %sub3A_404, %div3A_383 : i32
    %jit3A_406 = arith.constant 4096 : i32
    %eq3A_407 = arith.constant 0 : i32
    %eq3A_408 = arith.cmpi eq, %jit3A_406, %eq3A_407 : i32
    %jit3A_409 = arith.constant 1 : i32
    %select_n3A_410 = arith.select %eq3A_408, %jit3A_409, %jit3A_406 : i32
    %rem3A_411 = arith.remsi %add3A_381, %select_n3A_410 : i32
    %ne3A_412 = arith.constant 0 : i32
    %ne3A_413 = arith.cmpi ne, %rem3A_411, %ne3A_412 : i32
    %lt3A_414 = arith.constant 0 : i32
    %lt3A_415 = arith.cmpi slt, %rem3A_411, %lt3A_414 : i32
    %lt3A_416 = arith.constant 0 : i32
    %lt3A_417 = arith.cmpi slt, %select_n3A_410, %lt3A_416 : i32
    %ne3A_418 = arith.xori %lt3A_415, %lt3A_417 : i1
    %and3A_419 = arith.andi %ne3A_418, %ne3A_413 : i1
    %add3A_420 = arith.addi %rem3A_411, %select_n3A_410 : i32
    %select_n3A_421 = arith.select %and3A_419, %add3A_420, %rem3A_411 : i32
    %dma_start3A_422 = arith.constant 0 : i32
    %dma_start3A_423 = tpu.memref_slice %arg4[%select_n3A_405, %select_n3A_421, %dma_start3A_422] : memref<50x4096x128xf32, #tpu.memory_space<hbm>> -> memref<1x128x128xf32, #tpu.memory_space<hbm>>
    %dma_start3A_424 = tpu.memref_squeeze %dma_start3A_423 : memref<1x128x128xf32, #tpu.memory_space<hbm>> -> memref<128x128xf32, #tpu.memory_space<hbm>>
    %dma_start3A_425 = arith.constant 0 : i32
    %dma_start3A_426 = tpu.memref_slice %arg4[%select_n3A_405, %select_n3A_421, %dma_start3A_425] : memref<50x4096x128xf32, #tpu.memory_space<hbm>> -> memref<1x128x128xf32, #tpu.memory_space<hbm>>
    %dma_start3A_427 = tpu.memref_squeeze %dma_start3A_426 : memref<1x128x128xf32, #tpu.memory_space<hbm>> -> memref<128x128xf32, #tpu.memory_space<hbm>>
    tpu.enqueue_dma source(%arg6 : memref<128x128xf32, #tpu.memory_space<vmem>>) target(%dma_start3A_427 : memref<128x128xf32, #tpu.memory_space<hbm>>) target_semaphore(%arg16 : memref<!tpu.dma_semaphore, #tpu.memory_space<semaphore_mem>>)
    %add3A_428 = arith.constant 5504 : i32
    %add3A_429 = arith.addi %mul3A_2, %add3A_428 : i32
    %jit3A_430 = arith.constant 4096 : i32
    %div3A_431 = arith.divsi %add3A_429, %jit3A_430 : i32
    %sign3A_432 = arith.constant 0 : i32
    %sign3A_433 = arith.cmpi sgt, %add3A_429, %sign3A_432 : i32
    %sign3A_434 = arith.extui %sign3A_433 : i1 to i32
    %sign3A_435 = arith.constant 0 : i32
    %sign3A_436 = arith.cmpi slt, %add3A_429, %sign3A_435 : i32
    %sign3A_437 = arith.extui %sign3A_436 : i1 to i32
    %sign3A_438 = arith.subi %sign3A_434, %sign3A_437 : i32
    %sign3A_439 = arith.constant 0 : i32
    %sign3A_440 = arith.cmpi sgt, %jit3A_430, %sign3A_439 : i32
    %sign3A_441 = arith.extui %sign3A_440 : i1 to i32
    %sign3A_442 = arith.constant 0 : i32
    %sign3A_443 = arith.cmpi slt, %jit3A_430, %sign3A_442 : i32
    %sign3A_444 = arith.extui %sign3A_443 : i1 to i32
    %sign3A_445 = arith.subi %sign3A_441, %sign3A_444 : i32
    %ne3A_446 = arith.cmpi ne, %sign3A_438, %sign3A_445 : i32
    %rem3A_447 = arith.remsi %add3A_429, %jit3A_430 : i32
    %ne3A_448 = arith.constant 0 : i32
    %ne3A_449 = arith.cmpi ne, %rem3A_447, %ne3A_448 : i32
    %and3A_450 = arith.andi %ne3A_446, %ne3A_449 : i1
    %sub3A_451 = arith.constant 1 : i32
    %sub3A_452 = arith.subi %div3A_431, %sub3A_451 : i32
    %select_n3A_453 = arith.select %and3A_450, %sub3A_452, %div3A_431 : i32
    %jit3A_454 = arith.constant 4096 : i32
    %eq3A_455 = arith.constant 0 : i32
    %eq3A_456 = arith.cmpi eq, %jit3A_454, %eq3A_455 : i32
    %jit3A_457 = arith.constant 1 : i32
    %select_n3A_458 = arith.select %eq3A_456, %jit3A_457, %jit3A_454 : i32
    %rem3A_459 = arith.remsi %add3A_429, %select_n3A_458 : i32
    %ne3A_460 = arith.constant 0 : i32
    %ne3A_461 = arith.cmpi ne, %rem3A_459, %ne3A_460 : i32
    %lt3A_462 = arith.constant 0 : i32
    %lt3A_463 = arith.cmpi slt, %rem3A_459, %lt3A_462 : i32
    %lt3A_464 = arith.constant 0 : i32
    %lt3A_465 = arith.cmpi slt, %select_n3A_458, %lt3A_464 : i32
    %ne3A_466 = arith.xori %lt3A_463, %lt3A_465 : i1
    %and3A_467 = arith.andi %ne3A_466, %ne3A_461 : i1
    %add3A_468 = arith.addi %rem3A_459, %select_n3A_458 : i32
    %select_n3A_469 = arith.select %and3A_467, %add3A_468, %rem3A_459 : i32
    %dma_wait3A_470 = arith.constant 0 : i32
    %dma_wait3A_471 = tpu.memref_slice %arg4[%select_n3A_453, %select_n3A_469, %dma_wait3A_470] : memref<50x4096x128xf32, #tpu.memory_space<hbm>> -> memref<1x128x128xf32, #tpu.memory_space<hbm>>
    %dma_wait3A_472 = tpu.memref_squeeze %dma_wait3A_471 : memref<1x128x128xf32, #tpu.memory_space<hbm>> -> memref<128x128xf32, #tpu.memory_space<hbm>>
    %dma_wait3A_473 = arith.constant 0 : i32
    %dma_wait3A_474 = tpu.memref_slice %arg4[%select_n3A_453, %select_n3A_469, %dma_wait3A_473] : memref<50x4096x128xf32, #tpu.memory_space<hbm>> -> memref<1x128x128xf32, #tpu.memory_space<hbm>>
    %dma_wait3A_475 = tpu.memref_squeeze %dma_wait3A_474 : memref<1x128x128xf32, #tpu.memory_space<hbm>> -> memref<128x128xf32, #tpu.memory_space<hbm>>
    tpu.wait_dma2 semaphore(%arg19 : memref<!tpu.dma_semaphore, #tpu.memory_space<semaphore_mem>>) src(%arg9 : memref<128x128xf32, #tpu.memory_space<vmem>>) dst(%dma_wait3A_475 : memref<128x128xf32, #tpu.memory_space<hbm>>)
    %add3A_476 = arith.constant 5888 : i32
    %add3A_477 = arith.addi %mul3A_2, %add3A_476 : i32
    %jit3A_478 = arith.constant 4096 : i32
    %div3A_479 = arith.divsi %add3A_477, %jit3A_478 : i32
    %sign3A_480 = arith.constant 0 : i32
    %sign3A_481 = arith.cmpi sgt, %add3A_477, %sign3A_480 : i32
    %sign3A_482 = arith.extui %sign3A_481 : i1 to i32
    %sign3A_483 = arith.constant 0 : i32
    %sign3A_484 = arith.cmpi slt, %add3A_477, %sign3A_483 : i32
    %sign3A_485 = arith.extui %sign3A_484 : i1 to i32
    %sign3A_486 = arith.subi %sign3A_482, %sign3A_485 : i32
    %sign3A_487 = arith.constant 0 : i32
    %sign3A_488 = arith.cmpi sgt, %jit3A_478, %sign3A_487 : i32
    %sign3A_489 = arith.extui %sign3A_488 : i1 to i32
    %sign3A_490 = arith.constant 0 : i32
    %sign3A_491 = arith.cmpi slt, %jit3A_478, %sign3A_490 : i32
    %sign3A_492 = arith.extui %sign3A_491 : i1 to i32
    %sign3A_493 = arith.subi %sign3A_489, %sign3A_492 : i32
    %ne3A_494 = arith.cmpi ne, %sign3A_486, %sign3A_493 : i32
    %rem3A_495 = arith.remsi %add3A_477, %jit3A_478 : i32
    %ne3A_496 = arith.constant 0 : i32
    %ne3A_497 = arith.cmpi ne, %rem3A_495, %ne3A_496 : i32
    %and3A_498 = arith.andi %ne3A_494, %ne3A_497 : i1
    %sub3A_499 = arith.constant 1 : i32
    %sub3A_500 = arith.subi %div3A_479, %sub3A_499 : i32
    %select_n3A_501 = arith.select %and3A_498, %sub3A_500, %div3A_479 : i32
    %jit3A_502 = arith.constant 4096 : i32
    %eq3A_503 = arith.constant 0 : i32
    %eq3A_504 = arith.cmpi eq, %jit3A_502, %eq3A_503 : i32
    %jit3A_505 = arith.constant 1 : i32
    %select_n3A_506 = arith.select %eq3A_504, %jit3A_505, %jit3A_502 : i32
    %rem3A_507 = arith.remsi %add3A_477, %select_n3A_506 : i32
    %ne3A_508 = arith.constant 0 : i32
    %ne3A_509 = arith.cmpi ne, %rem3A_507, %ne3A_508 : i32
    %lt3A_510 = arith.constant 0 : i32
    %lt3A_511 = arith.cmpi slt, %rem3A_507, %lt3A_510 : i32
    %lt3A_512 = arith.constant 0 : i32
    %lt3A_513 = arith.cmpi slt, %select_n3A_506, %lt3A_512 : i32
    %ne3A_514 = arith.xori %lt3A_511, %lt3A_513 : i1
    %and3A_515 = arith.andi %ne3A_514, %ne3A_509 : i1
    %add3A_516 = arith.addi %rem3A_507, %select_n3A_506 : i32
    %select_n3A_517 = arith.select %and3A_515, %add3A_516, %rem3A_507 : i32
    %dma_start3A_518 = arith.constant 0 : i32
    %dma_start3A_519 = tpu.memref_slice %arg4[%select_n3A_501, %select_n3A_517, %dma_start3A_518] : memref<50x4096x128xf32, #tpu.memory_space<hbm>> -> memref<1x128x128xf32, #tpu.memory_space<hbm>>
    %dma_start3A_520 = tpu.memref_squeeze %dma_start3A_519 : memref<1x128x128xf32, #tpu.memory_space<hbm>> -> memref<128x128xf32, #tpu.memory_space<hbm>>
    %dma_start3A_521 = arith.constant 0 : i32
    %dma_start3A_522 = tpu.memref_slice %arg4[%select_n3A_501, %select_n3A_517, %dma_start3A_521] : memref<50x4096x128xf32, #tpu.memory_space<hbm>> -> memref<1x128x128xf32, #tpu.memory_space<hbm>>
    %dma_start3A_523 = tpu.memref_squeeze %dma_start3A_522 : memref<1x128x128xf32, #tpu.memory_space<hbm>> -> memref<128x128xf32, #tpu.memory_space<hbm>>
    tpu.enqueue_dma source(%arg7 : memref<128x128xf32, #tpu.memory_space<vmem>>) target(%dma_start3A_523 : memref<128x128xf32, #tpu.memory_space<hbm>>) target_semaphore(%arg17 : memref<!tpu.dma_semaphore, #tpu.memory_space<semaphore_mem>>)
    %add3A_524 = arith.constant 5632 : i32
    %add3A_525 = arith.addi %mul3A_2, %add3A_524 : i32
    %jit3A_526 = arith.constant 4096 : i32
    %div3A_527 = arith.divsi %add3A_525, %jit3A_526 : i32
    %sign3A_528 = arith.constant 0 : i32
    %sign3A_529 = arith.cmpi sgt, %add3A_525, %sign3A_528 : i32
    %sign3A_530 = arith.extui %sign3A_529 : i1 to i32
    %sign3A_531 = arith.constant 0 : i32
    %sign3A_532 = arith.cmpi slt, %add3A_525, %sign3A_531 : i32
    %sign3A_533 = arith.extui %sign3A_532 : i1 to i32
    %sign3A_534 = arith.subi %sign3A_530, %sign3A_533 : i32
    %sign3A_535 = arith.constant 0 : i32
    %sign3A_536 = arith.cmpi sgt, %jit3A_526, %sign3A_535 : i32
    %sign3A_537 = arith.extui %sign3A_536 : i1 to i32
    %sign3A_538 = arith.constant 0 : i32
    %sign3A_539 = arith.cmpi slt, %jit3A_526, %sign3A_538 : i32
    %sign3A_540 = arith.extui %sign3A_539 : i1 to i32
    %sign3A_541 = arith.subi %sign3A_537, %sign3A_540 : i32
    %ne3A_542 = arith.cmpi ne, %sign3A_534, %sign3A_541 : i32
    %rem3A_543 = arith.remsi %add3A_525, %jit3A_526 : i32
    %ne3A_544 = arith.constant 0 : i32
    %ne3A_545 = arith.cmpi ne, %rem3A_543, %ne3A_544 : i32
    %and3A_546 = arith.andi %ne3A_542, %ne3A_545 : i1
    %sub3A_547 = arith.constant 1 : i32
    %sub3A_548 = arith.subi %div3A_527, %sub3A_547 : i32
    %select_n3A_549 = arith.select %and3A_546, %sub3A_548, %div3A_527 : i32
    %jit3A_550 = arith.constant 4096 : i32
    %eq3A_551 = arith.constant 0 : i32
    %eq3A_552 = arith.cmpi eq, %jit3A_550, %eq3A_551 : i32
    %jit3A_553 = arith.constant 1 : i32
    %select_n3A_554 = arith.select %eq3A_552, %jit3A_553, %jit3A_550 : i32
    %rem3A_555 = arith.remsi %add3A_525, %select_n3A_554 : i32
    %ne3A_556 = arith.constant 0 : i32
    %ne3A_557 = arith.cmpi ne, %rem3A_555, %ne3A_556 : i32
    %lt3A_558 = arith.constant 0 : i32
    %lt3A_559 = arith.cmpi slt, %rem3A_555, %lt3A_558 : i32
    %lt3A_560 = arith.constant 0 : i32
    %lt3A_561 = arith.cmpi slt, %select_n3A_554, %lt3A_560 : i32
    %ne3A_562 = arith.xori %lt3A_559, %lt3A_561 : i1
    %and3A_563 = arith.andi %ne3A_562, %ne3A_557 : i1
    %add3A_564 = arith.addi %rem3A_555, %select_n3A_554 : i32
    %select_n3A_565 = arith.select %and3A_563, %add3A_564, %rem3A_555 : i32
    %dma_wait3A_566 = arith.constant 0 : i32
    %dma_wait3A_567 = tpu.memref_slice %arg4[%select_n3A_549, %select_n3A_565, %dma_wait3A_566] : memref<50x4096x128xf32, #tpu.memory_space<hbm>> -> memref<1x128x128xf32, #tpu.memory_space<hbm>>
    %dma_wait3A_568 = tpu.memref_squeeze %dma_wait3A_567 : memref<1x128x128xf32, #tpu.memory_space<hbm>> -> memref<128x128xf32, #tpu.memory_space<hbm>>
    %dma_wait3A_569 = arith.constant 0 : i32
    %dma_wait3A_570 = tpu.memref_slice %arg4[%select_n3A_549, %select_n3A_565, %dma_wait3A_569] : memref<50x4096x128xf32, #tpu.memory_space<hbm>> -> memref<1x128x128xf32, #tpu.memory_space<hbm>>
    %dma_wait3A_571 = tpu.memref_squeeze %dma_wait3A_570 : memref<1x128x128xf32, #tpu.memory_space<hbm>> -> memref<128x128xf32, #tpu.memory_space<hbm>>
    tpu.wait_dma2 semaphore(%arg20 : memref<!tpu.dma_semaphore, #tpu.memory_space<semaphore_mem>>) src(%arg10 : memref<128x128xf32, #tpu.memory_space<vmem>>) dst(%dma_wait3A_571 : memref<128x128xf32, #tpu.memory_space<hbm>>)
    %add3A_572 = arith.constant 6016 : i32
    %add3A_573 = arith.addi %mul3A_2, %add3A_572 : i32
    %jit3A_574 = arith.constant 4096 : i32
    %div3A_575 = arith.divsi %add3A_573, %jit3A_574 : i32
    %sign3A_576 = arith.constant 0 : i32
    %sign3A_577 = arith.cmpi sgt, %add3A_573, %sign3A_576 : i32
    %sign3A_578 = arith.extui %sign3A_577 : i1 to i32
    %sign3A_579 = arith.constant 0 : i32
    %sign3A_580 = arith.cmpi slt, %add3A_573, %sign3A_579 : i32
    %sign3A_581 = arith.extui %sign3A_580 : i1 to i32
    %sign3A_582 = arith.subi %sign3A_578, %sign3A_581 : i32
    %sign3A_583 = arith.constant 0 : i32
    %sign3A_584 = arith.cmpi sgt, %jit3A_574, %sign3A_583 : i32
    %sign3A_585 = arith.extui %sign3A_584 : i1 to i32
    %sign3A_586 = arith.constant 0 : i32
    %sign3A_587 = arith.cmpi slt, %jit3A_574, %sign3A_586 : i32
    %sign3A_588 = arith.extui %sign3A_587 : i1 to i32
    %sign3A_589 = arith.subi %sign3A_585, %sign3A_588 : i32
    %ne3A_590 = arith.cmpi ne, %sign3A_582, %sign3A_589 : i32
    %rem3A_591 = arith.remsi %add3A_573, %jit3A_574 : i32
    %ne3A_592 = arith.constant 0 : i32
    %ne3A_593 = arith.cmpi ne, %rem3A_591, %ne3A_592 : i32
    %and3A_594 = arith.andi %ne3A_590, %ne3A_593 : i1
    %sub3A_595 = arith.constant 1 : i32
    %sub3A_596 = arith.subi %div3A_575, %sub3A_595 : i32
    %select_n3A_597 = arith.select %and3A_594, %sub3A_596, %div3A_575 : i32
    %jit3A_598 = arith.constant 4096 : i32
    %eq3A_599 = arith.constant 0 : i32
    %eq3A_600 = arith.cmpi eq, %jit3A_598, %eq3A_599 : i32
    %jit3A_601 = arith.constant 1 : i32
    %select_n3A_602 = arith.select %eq3A_600, %jit3A_601, %jit3A_598 : i32
    %rem3A_603 = arith.remsi %add3A_573, %select_n3A_602 : i32
    %ne3A_604 = arith.constant 0 : i32
    %ne3A_605 = arith.cmpi ne, %rem3A_603, %ne3A_604 : i32
    %lt3A_606 = arith.constant 0 : i32
    %lt3A_607 = arith.cmpi slt, %rem3A_603, %lt3A_606 : i32
    %lt3A_608 = arith.constant 0 : i32
    %lt3A_609 = arith.cmpi slt, %select_n3A_602, %lt3A_608 : i32
    %ne3A_610 = arith.xori %lt3A_607, %lt3A_609 : i1
    %and3A_611 = arith.andi %ne3A_610, %ne3A_605 : i1
    %add3A_612 = arith.addi %rem3A_603, %select_n3A_602 : i32
    %select_n3A_613 = arith.select %and3A_611, %add3A_612, %rem3A_603 : i32
    %dma_start3A_614 = arith.constant 0 : i32
    %dma_start3A_615 = tpu.memref_slice %arg4[%select_n3A_597, %select_n3A_613, %dma_start3A_614] : memref<50x4096x128xf32, #tpu.memory_space<hbm>> -> memref<1x128x128xf32, #tpu.memory_space<hbm>>
    %dma_start3A_616 = tpu.memref_squeeze %dma_start3A_615 : memref<1x128x128xf32, #tpu.memory_space<hbm>> -> memref<128x128xf32, #tpu.memory_space<hbm>>
    %dma_start3A_617 = arith.constant 0 : i32
    %dma_start3A_618 = tpu.memref_slice %arg4[%select_n3A_597, %select_n3A_613, %dma_start3A_617] : memref<50x4096x128xf32, #tpu.memory_space<hbm>> -> memref<1x128x128xf32, #tpu.memory_space<hbm>>
    %dma_start3A_619 = tpu.memref_squeeze %dma_start3A_618 : memref<1x128x128xf32, #tpu.memory_space<hbm>> -> memref<128x128xf32, #tpu.memory_space<hbm>>
    tpu.enqueue_dma source(%arg8 : memref<128x128xf32, #tpu.memory_space<vmem>>) target(%dma_start3A_619 : memref<128x128xf32, #tpu.memory_space<hbm>>) target_semaphore(%arg18 : memref<!tpu.dma_semaphore, #tpu.memory_space<semaphore_mem>>)
    %add3A_620 = arith.constant 5760 : i32
    %add3A_621 = arith.addi %mul3A_2, %add3A_620 : i32
    %jit3A_622 = arith.constant 4096 : i32
    %div3A_623 = arith.divsi %add3A_621, %jit3A_622 : i32
    %sign3A_624 = arith.constant 0 : i32
    %sign3A_625 = arith.cmpi sgt, %add3A_621, %sign3A_624 : i32
    %sign3A_626 = arith.extui %sign3A_625 : i1 to i32
    %sign3A_627 = arith.constant 0 : i32
    %sign3A_628 = arith.cmpi slt, %add3A_621, %sign3A_627 : i32
    %sign3A_629 = arith.extui %sign3A_628 : i1 to i32
    %sign3A_630 = arith.subi %sign3A_626, %sign3A_629 : i32
    %sign3A_631 = arith.constant 0 : i32
    %sign3A_632 = arith.cmpi sgt, %jit3A_622, %sign3A_631 : i32
    %sign3A_633 = arith.extui %sign3A_632 : i1 to i32
    %sign3A_634 = arith.constant 0 : i32
    %sign3A_635 = arith.cmpi slt, %jit3A_622, %sign3A_634 : i32
    %sign3A_636 = arith.extui %sign3A_635 : i1 to i32
    %sign3A_637 = arith.subi %sign3A_633, %sign3A_636 : i32
    %ne3A_638 = arith.cmpi ne, %sign3A_630, %sign3A_637 : i32
    %rem3A_639 = arith.remsi %add3A_621, %jit3A_622 : i32
    %ne3A_640 = arith.constant 0 : i32
    %ne3A_641 = arith.cmpi ne, %rem3A_639, %ne3A_640 : i32
    %and3A_642 = arith.andi %ne3A_638, %ne3A_641 : i1
    %sub3A_643 = arith.constant 1 : i32
    %sub3A_644 = arith.subi %div3A_623, %sub3A_643 : i32
    %select_n3A_645 = arith.select %and3A_642, %sub3A_644, %div3A_623 : i32
    %jit3A_646 = arith.constant 4096 : i32
    %eq3A_647 = arith.constant 0 : i32
    %eq3A_648 = arith.cmpi eq, %jit3A_646, %eq3A_647 : i32
    %jit3A_649 = arith.constant 1 : i32
    %select_n3A_650 = arith.select %eq3A_648, %jit3A_649, %jit3A_646 : i32
    %rem3A_651 = arith.remsi %add3A_621, %select_n3A_650 : i32
    %ne3A_652 = arith.constant 0 : i32
    %ne3A_653 = arith.cmpi ne, %rem3A_651, %ne3A_652 : i32
    %lt3A_654 = arith.constant 0 : i32
    %lt3A_655 = arith.cmpi slt, %rem3A_651, %lt3A_654 : i32
    %lt3A_656 = arith.constant 0 : i32
    %lt3A_657 = arith.cmpi slt, %select_n3A_650, %lt3A_656 : i32
    %ne3A_658 = arith.xori %lt3A_655, %lt3A_657 : i1
    %and3A_659 = arith.andi %ne3A_658, %ne3A_653 : i1
    %add3A_660 = arith.addi %rem3A_651, %select_n3A_650 : i32
    %select_n3A_661 = arith.select %and3A_659, %add3A_660, %rem3A_651 : i32
    %dma_wait3A_662 = arith.constant 0 : i32
    %dma_wait3A_663 = tpu.memref_slice %arg4[%select_n3A_645, %select_n3A_661, %dma_wait3A_662] : memref<50x4096x128xf32, #tpu.memory_space<hbm>> -> memref<1x128x128xf32, #tpu.memory_space<hbm>>
    %dma_wait3A_664 = tpu.memref_squeeze %dma_wait3A_663 : memref<1x128x128xf32, #tpu.memory_space<hbm>> -> memref<128x128xf32, #tpu.memory_space<hbm>>
    %dma_wait3A_665 = arith.constant 0 : i32
    %dma_wait3A_666 = tpu.memref_slice %arg4[%select_n3A_645, %select_n3A_661, %dma_wait3A_665] : memref<50x4096x128xf32, #tpu.memory_space<hbm>> -> memref<1x128x128xf32, #tpu.memory_space<hbm>>
    %dma_wait3A_667 = tpu.memref_squeeze %dma_wait3A_666 : memref<1x128x128xf32, #tpu.memory_space<hbm>> -> memref<128x128xf32, #tpu.memory_space<hbm>>
    tpu.wait_dma2 semaphore(%arg16 : memref<!tpu.dma_semaphore, #tpu.memory_space<semaphore_mem>>) src(%arg6 : memref<128x128xf32, #tpu.memory_space<vmem>>) dst(%dma_wait3A_667 : memref<128x128xf32, #tpu.memory_space<hbm>>)
    %add3A_668 = arith.constant 6144 : i32
    %add3A_669 = arith.addi %mul3A_2, %add3A_668 : i32
    %jit3A_670 = arith.constant 4096 : i32
    %div3A_671 = arith.divsi %add3A_669, %jit3A_670 : i32
    %sign3A_672 = arith.constant 0 : i32
    %sign3A_673 = arith.cmpi sgt, %add3A_669, %sign3A_672 : i32
    %sign3A_674 = arith.extui %sign3A_673 : i1 to i32
    %sign3A_675 = arith.constant 0 : i32
    %sign3A_676 = arith.cmpi slt, %add3A_669, %sign3A_675 : i32
    %sign3A_677 = arith.extui %sign3A_676 : i1 to i32
    %sign3A_678 = arith.subi %sign3A_674, %sign3A_677 : i32
    %sign3A_679 = arith.constant 0 : i32
    %sign3A_680 = arith.cmpi sgt, %jit3A_670, %sign3A_679 : i32
    %sign3A_681 = arith.extui %sign3A_680 : i1 to i32
    %sign3A_682 = arith.constant 0 : i32
    %sign3A_683 = arith.cmpi slt, %jit3A_670, %sign3A_682 : i32
    %sign3A_684 = arith.extui %sign3A_683 : i1 to i32
    %sign3A_685 = arith.subi %sign3A_681, %sign3A_684 : i32
    %ne3A_686 = arith.cmpi ne, %sign3A_678, %sign3A_685 : i32
    %rem3A_687 = arith.remsi %add3A_669, %jit3A_670 : i32
    %ne3A_688 = arith.constant 0 : i32
    %ne3A_689 = arith.cmpi ne, %rem3A_687, %ne3A_688 : i32
    %and3A_690 = arith.andi %ne3A_686, %ne3A_689 : i1
    %sub3A_691 = arith.constant 1 : i32
    %sub3A_692 = arith.subi %div3A_671, %sub3A_691 : i32
    %select_n3A_693 = arith.select %and3A_690, %sub3A_692, %div3A_671 : i32
    %jit3A_694 = arith.constant 4096 : i32
    %eq3A_695 = arith.constant 0 : i32
    %eq3A_696 = arith.cmpi eq, %jit3A_694, %eq3A_695 : i32
    %jit3A_697 = arith.constant 1 : i32
    %select_n3A_698 = arith.select %eq3A_696, %jit3A_697, %jit3A_694 : i32
    %rem3A_699 = arith.remsi %add3A_669, %select_n3A_698 : i32
    %ne3A_700 = arith.constant 0 : i32
    %ne3A_701 = arith.cmpi ne, %rem3A_699, %ne3A_700 : i32
    %lt3A_702 = arith.constant 0 : i32
    %lt3A_703 = arith.cmpi slt, %rem3A_699, %lt3A_702 : i32
    %lt3A_704 = arith.constant 0 : i32
    %lt3A_705 = arith.cmpi slt, %select_n3A_698, %lt3A_704 : i32
    %ne3A_706 = arith.xori %lt3A_703, %lt3A_705 : i1
    %and3A_707 = arith.andi %ne3A_706, %ne3A_701 : i1
    %add3A_708 = arith.addi %rem3A_699, %select_n3A_698 : i32
    %select_n3A_709 = arith.select %and3A_707, %add3A_708, %rem3A_699 : i32
    %dma_start3A_710 = arith.constant 0 : i32
    %dma_start3A_711 = tpu.memref_slice %arg4[%select_n3A_693, %select_n3A_709, %dma_start3A_710] : memref<50x4096x128xf32, #tpu.memory_space<hbm>> -> memref<1x128x128xf32, #tpu.memory_space<hbm>>
    %dma_start3A_712 = tpu.memref_squeeze %dma_start3A_711 : memref<1x128x128xf32, #tpu.memory_space<hbm>> -> memref<128x128xf32, #tpu.memory_space<hbm>>
    %dma_start3A_713 = arith.constant 0 : i32
    %dma_start3A_714 = tpu.memref_slice %arg4[%select_n3A_693, %select_n3A_709, %dma_start3A_713] : memref<50x4096x128xf32, #tpu.memory_space<hbm>> -> memref<1x128x128xf32, #tpu.memory_space<hbm>>
    %dma_start3A_715 = tpu.memref_squeeze %dma_start3A_714 : memref<1x128x128xf32, #tpu.memory_space<hbm>> -> memref<128x128xf32, #tpu.memory_space<hbm>>
    tpu.enqueue_dma source(%arg9 : memref<128x128xf32, #tpu.memory_space<vmem>>) target(%dma_start3A_715 : memref<128x128xf32, #tpu.memory_space<hbm>>) target_semaphore(%arg19 : memref<!tpu.dma_semaphore, #tpu.memory_space<semaphore_mem>>)
    %add3A_716 = arith.constant 5888 : i32
    %add3A_717 = arith.addi %mul3A_2, %add3A_716 : i32
    %jit3A_718 = arith.constant 4096 : i32
    %div3A_719 = arith.divsi %add3A_717, %jit3A_718 : i32
    %sign3A_720 = arith.constant 0 : i32
    %sign3A_721 = arith.cmpi sgt, %add3A_717, %sign3A_720 : i32
    %sign3A_722 = arith.extui %sign3A_721 : i1 to i32
    %sign3A_723 = arith.constant 0 : i32
    %sign3A_724 = arith.cmpi slt, %add3A_717, %sign3A_723 : i32
    %sign3A_725 = arith.extui %sign3A_724 : i1 to i32
    %sign3A_726 = arith.subi %sign3A_722, %sign3A_725 : i32
    %sign3A_727 = arith.constant 0 : i32
    %sign3A_728 = arith.cmpi sgt, %jit3A_718, %sign3A_727 : i32
    %sign3A_729 = arith.extui %sign3A_728 : i1 to i32
    %sign3A_730 = arith.constant 0 : i32
    %sign3A_731 = arith.cmpi slt, %jit3A_718, %sign3A_730 : i32
    %sign3A_732 = arith.extui %sign3A_731 : i1 to i32
    %sign3A_733 = arith.subi %sign3A_729, %sign3A_732 : i32
    %ne3A_734 = arith.cmpi ne, %sign3A_726, %sign3A_733 : i32
    %rem3A_735 = arith.remsi %add3A_717, %jit3A_718 : i32
    %ne3A_736 = arith.constant 0 : i32
    %ne3A_737 = arith.cmpi ne, %rem3A_735, %ne3A_736 : i32
    %and3A_738 = arith.andi %ne3A_734, %ne3A_737 : i1
    %sub3A_739 = arith.constant 1 : i32
    %sub3A_740 = arith.subi %div3A_719, %sub3A_739 : i32
    %select_n3A_741 = arith.select %and3A_738, %sub3A_740, %div3A_719 : i32
    %jit3A_742 = arith.constant 4096 : i32
    %eq3A_743 = arith.constant 0 : i32
    %eq3A_744 = arith.cmpi eq, %jit3A_742, %eq3A_743 : i32
    %jit3A_745 = arith.constant 1 : i32
    %select_n3A_746 = arith.select %eq3A_744, %jit3A_745, %jit3A_742 : i32
    %rem3A_747 = arith.remsi %add3A_717, %select_n3A_746 : i32
    %ne3A_748 = arith.constant 0 : i32
    %ne3A_749 = arith.cmpi ne, %rem3A_747, %ne3A_748 : i32
    %lt3A_750 = arith.constant 0 : i32
    %lt3A_751 = arith.cmpi slt, %rem3A_747, %lt3A_750 : i32
    %lt3A_752 = arith.constant 0 : i32
    %lt3A_753 = arith.cmpi slt, %select_n3A_746, %lt3A_752 : i32
    %ne3A_754 = arith.xori %lt3A_751, %lt3A_753 : i1
    %and3A_755 = arith.andi %ne3A_754, %ne3A_749 : i1
    %add3A_756 = arith.addi %rem3A_747, %select_n3A_746 : i32
    %select_n3A_757 = arith.select %and3A_755, %add3A_756, %rem3A_747 : i32
    %dma_wait3A_758 = arith.constant 0 : i32
    %dma_wait3A_759 = tpu.memref_slice %arg4[%select_n3A_741, %select_n3A_757, %dma_wait3A_758] : memref<50x4096x128xf32, #tpu.memory_space<hbm>> -> memref<1x128x128xf32, #tpu.memory_space<hbm>>
    %dma_wait3A_760 = tpu.memref_squeeze %dma_wait3A_759 : memref<1x128x128xf32, #tpu.memory_space<hbm>> -> memref<128x128xf32, #tpu.memory_space<hbm>>
    %dma_wait3A_761 = arith.constant 0 : i32
    %dma_wait3A_762 = tpu.memref_slice %arg4[%select_n3A_741, %select_n3A_757, %dma_wait3A_761] : memref<50x4096x128xf32, #tpu.memory_space<hbm>> -> memref<1x128x128xf32, #tpu.memory_space<hbm>>
    %dma_wait3A_763 = tpu.memref_squeeze %dma_wait3A_762 : memref<1x128x128xf32, #tpu.memory_space<hbm>> -> memref<128x128xf32, #tpu.memory_space<hbm>>
    tpu.wait_dma2 semaphore(%arg17 : memref<!tpu.dma_semaphore, #tpu.memory_space<semaphore_mem>>) src(%arg7 : memref<128x128xf32, #tpu.memory_space<vmem>>) dst(%dma_wait3A_763 : memref<128x128xf32, #tpu.memory_space<hbm>>)
    %add3A_764 = arith.constant 6272 : i32
    %add3A_765 = arith.addi %mul3A_2, %add3A_764 : i32
    %jit3A_766 = arith.constant 4096 : i32
    %div3A_767 = arith.divsi %add3A_765, %jit3A_766 : i32
    %sign3A_768 = arith.constant 0 : i32
    %sign3A_769 = arith.cmpi sgt, %add3A_765, %sign3A_768 : i32
    %sign3A_770 = arith.extui %sign3A_769 : i1 to i32
    %sign3A_771 = arith.constant 0 : i32
    %sign3A_772 = arith.cmpi slt, %add3A_765, %sign3A_771 : i32
    %sign3A_773 = arith.extui %sign3A_772 : i1 to i32
    %sign3A_774 = arith.subi %sign3A_770, %sign3A_773 : i32
    %sign3A_775 = arith.constant 0 : i32
    %sign3A_776 = arith.cmpi sgt, %jit3A_766, %sign3A_775 : i32
    %sign3A_777 = arith.extui %sign3A_776 : i1 to i32
    %sign3A_778 = arith.constant 0 : i32
    %sign3A_779 = arith.cmpi slt, %jit3A_766, %sign3A_778 : i32
    %sign3A_780 = arith.extui %sign3A_779 : i1 to i32
    %sign3A_781 = arith.subi %sign3A_777, %sign3A_780 : i32
    %ne3A_782 = arith.cmpi ne, %sign3A_774, %sign3A_781 : i32
    %rem3A_783 = arith.remsi %add3A_765, %jit3A_766 : i32
    %ne3A_784 = arith.constant 0 : i32
    %ne3A_785 = arith.cmpi ne, %rem3A_783, %ne3A_784 : i32
    %and3A_786 = arith.andi %ne3A_782, %ne3A_785 : i1
    %sub3A_787 = arith.constant 1 : i32
    %sub3A_788 = arith.subi %div3A_767, %sub3A_787 : i32
    %select_n3A_789 = arith.select %and3A_786, %sub3A_788, %div3A_767 : i32
    %jit3A_790 = arith.constant 4096 : i32
    %eq3A_791 = arith.constant 0 : i32
    %eq3A_792 = arith.cmpi eq, %jit3A_790, %eq3A_791 : i32
    %jit3A_793 = arith.constant 1 : i32
    %select_n3A_794 = arith.select %eq3A_792, %jit3A_793, %jit3A_790 : i32
    %rem3A_795 = arith.remsi %add3A_765, %select_n3A_794 : i32
    %ne3A_796 = arith.constant 0 : i32
    %ne3A_797 = arith.cmpi ne, %rem3A_795, %ne3A_796 : i32
    %lt3A_798 = arith.constant 0 : i32
    %lt3A_799 = arith.cmpi slt, %rem3A_795, %lt3A_798 : i32
    %lt3A_800 = arith.constant 0 : i32
    %lt3A_801 = arith.cmpi slt, %select_n3A_794, %lt3A_800 : i32
    %ne3A_802 = arith.xori %lt3A_799, %lt3A_801 : i1
    %and3A_803 = arith.andi %ne3A_802, %ne3A_797 : i1
    %add3A_804 = arith.addi %rem3A_795, %select_n3A_794 : i32
    %select_n3A_805 = arith.select %and3A_803, %add3A_804, %rem3A_795 : i32
    %dma_start3A_806 = arith.constant 0 : i32
    %dma_start3A_807 = tpu.memref_slice %arg4[%select_n3A_789, %select_n3A_805, %dma_start3A_806] : memref<50x4096x128xf32, #tpu.memory_space<hbm>> -> memref<1x128x128xf32, #tpu.memory_space<hbm>>
    %dma_start3A_808 = tpu.memref_squeeze %dma_start3A_807 : memref<1x128x128xf32, #tpu.memory_space<hbm>> -> memref<128x128xf32, #tpu.memory_space<hbm>>
    %dma_start3A_809 = arith.constant 0 : i32
    %dma_start3A_810 = tpu.memref_slice %arg4[%select_n3A_789, %select_n3A_805, %dma_start3A_809] : memref<50x4096x128xf32, #tpu.memory_space<hbm>> -> memref<1x128x128xf32, #tpu.memory_space<hbm>>
    %dma_start3A_811 = tpu.memref_squeeze %dma_start3A_810 : memref<1x128x128xf32, #tpu.memory_space<hbm>> -> memref<128x128xf32, #tpu.memory_space<hbm>>
    tpu.enqueue_dma source(%arg10 : memref<128x128xf32, #tpu.memory_space<vmem>>) target(%dma_start3A_811 : memref<128x128xf32, #tpu.memory_space<hbm>>) target_semaphore(%arg20 : memref<!tpu.dma_semaphore, #tpu.memory_space<semaphore_mem>>)
    %add3A_812 = arith.constant 6016 : i32
    %add3A_813 = arith.addi %mul3A_2, %add3A_812 : i32
    %jit3A_814 = arith.constant 4096 : i32
    %div3A_815 = arith.divsi %add3A_813, %jit3A_814 : i32
    %sign3A_816 = arith.constant 0 : i32
    %sign3A_817 = arith.cmpi sgt, %add3A_813, %sign3A_816 : i32
    %sign3A_818 = arith.extui %sign3A_817 : i1 to i32
    %sign3A_819 = arith.constant 0 : i32
    %sign3A_820 = arith.cmpi slt, %add3A_813, %sign3A_819 : i32
    %sign3A_821 = arith.extui %sign3A_820 : i1 to i32
    %sign3A_822 = arith.subi %sign3A_818, %sign3A_821 : i32
    %sign3A_823 = arith.constant 0 : i32
    %sign3A_824 = arith.cmpi sgt, %jit3A_814, %sign3A_823 : i32
    %sign3A_825 = arith.extui %sign3A_824 : i1 to i32
    %sign3A_826 = arith.constant 0 : i32
    %sign3A_827 = arith.cmpi slt, %jit3A_814, %sign3A_826 : i32
    %sign3A_828 = arith.extui %sign3A_827 : i1 to i32
    %sign3A_829 = arith.subi %sign3A_825, %sign3A_828 : i32
    %ne3A_830 = arith.cmpi ne, %sign3A_822, %sign3A_829 : i32
    %rem3A_831 = arith.remsi %add3A_813, %jit3A_814 : i32
    %ne3A_832 = arith.constant 0 : i32
    %ne3A_833 = arith.cmpi ne, %rem3A_831, %ne3A_832 : i32
    %and3A_834 = arith.andi %ne3A_830, %ne3A_833 : i1
    %sub3A_835 = arith.constant 1 : i32
    %sub3A_836 = arith.subi %div3A_815, %sub3A_835 : i32
    %select_n3A_837 = arith.select %and3A_834, %sub3A_836, %div3A_815 : i32
    %jit3A_838 = arith.constant 4096 : i32
    %eq3A_839 = arith.constant 0 : i32
    %eq3A_840 = arith.cmpi eq, %jit3A_838, %eq3A_839 : i32
    %jit3A_841 = arith.constant 1 : i32
    %select_n3A_842 = arith.select %eq3A_840, %jit3A_841, %jit3A_838 : i32
    %rem3A_843 = arith.remsi %add3A_813, %select_n3A_842 : i32
    %ne3A_844 = arith.constant 0 : i32
    %ne3A_845 = arith.cmpi ne, %rem3A_843, %ne3A_844 : i32
    %lt3A_846 = arith.constant 0 : i32
    %lt3A_847 = arith.cmpi slt, %rem3A_843, %lt3A_846 : i32
    %lt3A_848 = arith.constant 0 : i32
    %lt3A_849 = arith.cmpi slt, %select_n3A_842, %lt3A_848 : i32
    %ne3A_850 = arith.xori %lt3A_847, %lt3A_849 : i1
    %and3A_851 = arith.andi %ne3A_850, %ne3A_845 : i1
    %add3A_852 = arith.addi %rem3A_843, %select_n3A_842 : i32
    %select_n3A_853 = arith.select %and3A_851, %add3A_852, %rem3A_843 : i32
    %dma_wait3A_854 = arith.constant 0 : i32
    %dma_wait3A_855 = tpu.memref_slice %arg4[%select_n3A_837, %select_n3A_853, %dma_wait3A_854] : memref<50x4096x128xf32, #tpu.memory_space<hbm>> -> memref<1x128x128xf32, #tpu.memory_space<hbm>>
    %dma_wait3A_856 = tpu.memref_squeeze %dma_wait3A_855 : memref<1x128x128xf32, #tpu.memory_space<hbm>> -> memref<128x128xf32, #tpu.memory_space<hbm>>
    %dma_wait3A_857 = arith.constant 0 : i32
    %dma_wait3A_858 = tpu.memref_slice %arg4[%select_n3A_837, %select_n3A_853, %dma_wait3A_857] : memref<50x4096x128xf32, #tpu.memory_space<hbm>> -> memref<1x128x128xf32, #tpu.memory_space<hbm>>
    %dma_wait3A_859 = tpu.memref_squeeze %dma_wait3A_858 : memref<1x128x128xf32, #tpu.memory_space<hbm>> -> memref<128x128xf32, #tpu.memory_space<hbm>>
    tpu.wait_dma2 semaphore(%arg18 : memref<!tpu.dma_semaphore, #tpu.memory_space<semaphore_mem>>) src(%arg8 : memref<128x128xf32, #tpu.memory_space<vmem>>) dst(%dma_wait3A_859 : memref<128x128xf32, #tpu.memory_space<hbm>>)
    %add3A_860 = arith.constant 6144 : i32
    %add3A_861 = arith.addi %mul3A_2, %add3A_860 : i32
    %jit3A_862 = arith.constant 4096 : i32
    %div3A_863 = arith.divsi %add3A_861, %jit3A_862 : i32
    %sign3A_864 = arith.constant 0 : i32
    %sign3A_865 = arith.cmpi sgt, %add3A_861, %sign3A_864 : i32
    %sign3A_866 = arith.extui %sign3A_865 : i1 to i32
    %sign3A_867 = arith.constant 0 : i32
    %sign3A_868 = arith.cmpi slt, %add3A_861, %sign3A_867 : i32
    %sign3A_869 = arith.extui %sign3A_868 : i1 to i32
    %sign3A_870 = arith.subi %sign3A_866, %sign3A_869 : i32
    %sign3A_871 = arith.constant 0 : i32
    %sign3A_872 = arith.cmpi sgt, %jit3A_862, %sign3A_871 : i32
    %sign3A_873 = arith.extui %sign3A_872 : i1 to i32
    %sign3A_874 = arith.constant 0 : i32
    %sign3A_875 = arith.cmpi slt, %jit3A_862, %sign3A_874 : i32
    %sign3A_876 = arith.extui %sign3A_875 : i1 to i32
    %sign3A_877 = arith.subi %sign3A_873, %sign3A_876 : i32
    %ne3A_878 = arith.cmpi ne, %sign3A_870, %sign3A_877 : i32
    %rem3A_879 = arith.remsi %add3A_861, %jit3A_862 : i32
    %ne3A_880 = arith.constant 0 : i32
    %ne3A_881 = arith.cmpi ne, %rem3A_879, %ne3A_880 : i32
    %and3A_882 = arith.andi %ne3A_878, %ne3A_881 : i1
    %sub3A_883 = arith.constant 1 : i32
    %sub3A_884 = arith.subi %div3A_863, %sub3A_883 : i32
    %select_n3A_885 = arith.select %and3A_882, %sub3A_884, %div3A_863 : i32
    %jit3A_886 = arith.constant 4096 : i32
    %eq3A_887 = arith.constant 0 : i32
    %eq3A_888 = arith.cmpi eq, %jit3A_886, %eq3A_887 : i32
    %jit3A_889 = arith.constant 1 : i32
    %select_n3A_890 = arith.select %eq3A_888, %jit3A_889, %jit3A_886 : i32
    %rem3A_891 = arith.remsi %add3A_861, %select_n3A_890 : i32
    %ne3A_892 = arith.constant 0 : i32
    %ne3A_893 = arith.cmpi ne, %rem3A_891, %ne3A_892 : i32
    %lt3A_894 = arith.constant 0 : i32
    %lt3A_895 = arith.cmpi slt, %rem3A_891, %lt3A_894 : i32
    %lt3A_896 = arith.constant 0 : i32
    %lt3A_897 = arith.cmpi slt, %select_n3A_890, %lt3A_896 : i32
    %ne3A_898 = arith.xori %lt3A_895, %lt3A_897 : i1
    %and3A_899 = arith.andi %ne3A_898, %ne3A_893 : i1
    %add3A_900 = arith.addi %rem3A_891, %select_n3A_890 : i32
    %select_n3A_901 = arith.select %and3A_899, %add3A_900, %rem3A_891 : i32
    %dma_wait3A_902 = arith.constant 0 : i32
    %dma_wait3A_903 = tpu.memref_slice %arg4[%select_n3A_885, %select_n3A_901, %dma_wait3A_902] : memref<50x4096x128xf32, #tpu.memory_space<hbm>> -> memref<1x128x128xf32, #tpu.memory_space<hbm>>
    %dma_wait3A_904 = tpu.memref_squeeze %dma_wait3A_903 : memref<1x128x128xf32, #tpu.memory_space<hbm>> -> memref<128x128xf32, #tpu.memory_space<hbm>>
    %dma_wait3A_905 = arith.constant 0 : i32
    %dma_wait3A_906 = tpu.memref_slice %arg4[%select_n3A_885, %select_n3A_901, %dma_wait3A_905] : memref<50x4096x128xf32, #tpu.memory_space<hbm>> -> memref<1x128x128xf32, #tpu.memory_space<hbm>>
    %dma_wait3A_907 = tpu.memref_squeeze %dma_wait3A_906 : memref<1x128x128xf32, #tpu.memory_space<hbm>> -> memref<128x128xf32, #tpu.memory_space<hbm>>
    tpu.wait_dma2 semaphore(%arg19 : memref<!tpu.dma_semaphore, #tpu.memory_space<semaphore_mem>>) src(%arg9 : memref<128x128xf32, #tpu.memory_space<vmem>>) dst(%dma_wait3A_907 : memref<128x128xf32, #tpu.memory_space<hbm>>)
    %add3A_908 = arith.constant 6272 : i32
    %add3A_909 = arith.addi %mul3A_2, %add3A_908 : i32
    %jit3A_910 = arith.constant 4096 : i32
    %div3A_911 = arith.divsi %add3A_909, %jit3A_910 : i32
    %sign3A_912 = arith.constant 0 : i32
    %sign3A_913 = arith.cmpi sgt, %add3A_909, %sign3A_912 : i32
    %sign3A_914 = arith.extui %sign3A_913 : i1 to i32
    %sign3A_915 = arith.constant 0 : i32
    %sign3A_916 = arith.cmpi slt, %add3A_909, %sign3A_915 : i32
    %sign3A_917 = arith.extui %sign3A_916 : i1 to i32
    %sign3A_918 = arith.subi %sign3A_914, %sign3A_917 : i32
    %sign3A_919 = arith.constant 0 : i32
    %sign3A_920 = arith.cmpi sgt, %jit3A_910, %sign3A_919 : i32
    %sign3A_921 = arith.extui %sign3A_920 : i1 to i32
    %sign3A_922 = arith.constant 0 : i32
    %sign3A_923 = arith.cmpi slt, %jit3A_910, %sign3A_922 : i32
    %sign3A_924 = arith.extui %sign3A_923 : i1 to i32
    %sign3A_925 = arith.subi %sign3A_921, %sign3A_924 : i32
    %ne3A_926 = arith.cmpi ne, %sign3A_918, %sign3A_925 : i32
    %rem3A_927 = arith.remsi %add3A_909, %jit3A_910 : i32
    %ne3A_928 = arith.constant 0 : i32
    %ne3A_929 = arith.cmpi ne, %rem3A_927, %ne3A_928 : i32
    %and3A_930 = arith.andi %ne3A_926, %ne3A_929 : i1
    %sub3A_931 = arith.constant 1 : i32
    %sub3A_932 = arith.subi %div3A_911, %sub3A_931 : i32
    %select_n3A_933 = arith.select %and3A_930, %sub3A_932, %div3A_911 : i32
    %jit3A_934 = arith.constant 4096 : i32
    %eq3A_935 = arith.constant 0 : i32
    %eq3A_936 = arith.cmpi eq, %jit3A_934, %eq3A_935 : i32
    %jit3A_937 = arith.constant 1 : i32
    %select_n3A_938 = arith.select %eq3A_936, %jit3A_937, %jit3A_934 : i32
    %rem3A_939 = arith.remsi %add3A_909, %select_n3A_938 : i32
    %ne3A_940 = arith.constant 0 : i32
    %ne3A_941 = arith.cmpi ne, %rem3A_939, %ne3A_940 : i32
    %lt3A_942 = arith.constant 0 : i32
    %lt3A_943 = arith.cmpi slt, %rem3A_939, %lt3A_942 : i32
    %lt3A_944 = arith.constant 0 : i32
    %lt3A_945 = arith.cmpi slt, %select_n3A_938, %lt3A_944 : i32
    %ne3A_946 = arith.xori %lt3A_943, %lt3A_945 : i1
    %and3A_947 = arith.andi %ne3A_946, %ne3A_941 : i1
    %add3A_948 = arith.addi %rem3A_939, %select_n3A_938 : i32
    %select_n3A_949 = arith.select %and3A_947, %add3A_948, %rem3A_939 : i32
    %dma_wait3A_950 = arith.constant 0 : i32
    %dma_wait3A_951 = tpu.memref_slice %arg4[%select_n3A_933, %select_n3A_949, %dma_wait3A_950] : memref<50x4096x128xf32, #tpu.memory_space<hbm>> -> memref<1x128x128xf32, #tpu.memory_space<hbm>>
    %dma_wait3A_952 = tpu.memref_squeeze %dma_wait3A_951 : memref<1x128x128xf32, #tpu.memory_space<hbm>> -> memref<128x128xf32, #tpu.memory_space<hbm>>
    %dma_wait3A_953 = arith.constant 0 : i32
    %dma_wait3A_954 = tpu.memref_slice %arg4[%select_n3A_933, %select_n3A_949, %dma_wait3A_953] : memref<50x4096x128xf32, #tpu.memory_space<hbm>> -> memref<1x128x128xf32, #tpu.memory_space<hbm>>
    %dma_wait3A_955 = tpu.memref_squeeze %dma_wait3A_954 : memref<1x128x128xf32, #tpu.memory_space<hbm>> -> memref<128x128xf32, #tpu.memory_space<hbm>>
    tpu.wait_dma2 semaphore(%arg20 : memref<!tpu.dma_semaphore, #tpu.memory_space<semaphore_mem>>) src(%arg10 : memref<128x128xf32, #tpu.memory_space<vmem>>) dst(%dma_wait3A_955 : memref<128x128xf32, #tpu.memory_space<hbm>>)
    return
  }
}

</mosaic_0001>

<sc_bundles>
// kernel: _emb.3.cloned.1.call-start
scs
__scs_entry_jumppad:
0x0: {  	(pc) =	sbr.rel $0x88, $3  }
0x1: {  	(tag) =	ssettag $0x0;
	lr =	simm.s32 $0x1  }
0x2: {  	[smem:$0x3F9F] =	sst lr;
	_ =	strace $0xD0000000  }
0x3: {  	_ = 	snop  }
0x4: {  	_ = 	snop  }
0x5: {  	_ = 	snop  }
0x6: {  	_ = 	snop  }
0x7: {  	_ = 	snop  }
__scs_overlays_trampoline_lowered:
0x8: {  	[smem:$0x3FAE] =	sst s0  }
0x9: {  	[smem:$0x3FAF] =	sst s1  }
0xa: {  	[smem:$0x3FB0] =	sst s2  }
0xb: {  	[smem:$0x3FB1] =	sst s3  }
0xc: {  	[smem:$0x3FB2] =	sst s4  }
0xd: {  	[smem:$0x3FB3] =	sst s5  }
0xe: {  	[smem:$0x3FB4] =	sst s6  }
0xf: {  	[smem:$0x3FB5] =	sst s7  }
0x10: {  	[smem:$0x3FB6] =	sst s8  }
0x11: {  	[smem:$0x3FB7] =	sst s9;
	s0 =	simm.s32 @!p0 $0x0  }
0x12: {  	s1 =	sld [smem:$0x3F9D];
	s0 =	simm.s32 @p0 $0x1  }
0x13: {  	[smem:$0x3FB8] =	sst s0;
	s0 =	simm.s32 @!p1 $0x0  }
0x14: {  	s2 =	sld [smem:$0x3F9C];
	s0 =	simm.s32 @p1 $0x1  }
0x15: {  	[smem:$0x3FB9] =	sst s0;
	s0 =	simm.s32 @!p2 $0x0  }
0x16: {  	s3 =	sld [smem:$0x3FDB];
	s0 =	simm.s32 @p2 $0x1  }
0x17: {  	s4 =	simm.s32 $0x1BF5;
	[smem:$0x3FBB] =	sst s0  }
0x18: {  	s0 =	sld [smem:$0x3F9E];
	_ =	swait.ge [sflag:s4], $0x0  }
0x19: {  	s7 =	sld [smem:$0x3F9F]  }
0x1a: {  	s8 =	sadd.s32 $0xFFFFE003, lr  }
0x1b: {  	s9 =	sadd.s32 $0xFFFFFEF7, lr;
	s5 =	simm.s32 $0xFFFFFFFF;
	p2 =	slt.u32 s8, $0xFFFFF086  }
0x1c: {  	p1 =	slt.u32 s9, $0xF7A;
	s5 =	simm.s32 @!p2 $0x0  }
0x1d: {  	s5 =	simm.s32 @p1 $0x1;
	p0 =	seq.s32 s7, s2  }
0x1e: {  	s7 =	smul.u32 @!p0 $0xF7A, s2;
	p2 =	seq.s32 @!p0 s5, $0x0  }
0x1f: {  	s9 =	smul.u32 $0xF7A, s1;
	s8 =	simm.s32 @!p0 $0x1BF5;
	p2 =	por !p2, p0  }
0x20: {  	[sflag:s8] =	ssyncset.s32 @!p0 $0xFFFFF086;
	s6 =	sadd.s32 @!p0 s3, s7;
	s7 =	simm.s32 @!p0 $0x108  }
0x21: {  	s3 =	sadd.s32 s3, s9;
	s6 =	sadd.s32 @!p0 $0x88, s6;
	s7 =	simm.s32 @p2 $0x1082  }
0x22: {  	[simem:s7], [sflag:s8] =	dma.local @!p0 [hbm:s6], $0xF7A  }
0x23: {  	s9 =	sor.u32 $0xD0000000, s2;
	s6 =	simm.s32 $0x108;
	_ =	swait.ge @!p0 [sflag:s8], $0x0  }
0x24: {  	s3 =	sadd.s32 $0x88, s3;
	s6 =	simm.s32 @!p1 $0x1082;
	[sflag:s4] =	ssyncset.s32 $0xFFFFF086  }
0x25: {  	[simem:s6], [sflag:s4] =	dma.local [hbm:s3], $0xF7A  }
0x26: {  	[smem:$0x3F9F] =	sst s1;
	(tag) =	ssettag s2;
	_ =	strace s9  }
0x27: {  	s1 =	sld [smem:$0x3FAF]  }
0x28: {  	s2 =	sld [smem:$0x3FB0]  }
0x29: {  	s4 =	sld [smem:$0x3FB2]  }
0x2a: {  	p0 =	seq.s32 s5, $0x0;
	s5 =	sld [smem:$0x3FB3]  }
0x2b: {  	s6 =	sld [smem:$0x3FB4]  }
0x2c: {  	s7 =	sld [smem:$0x3FB5]  }
0x2d: {  	s3 =	simm.s32 $0x108;
	s8 =	sld [smem:$0x3FB6]  }
0x2e: {  	s3 =	simm.s32 @!p0 $0x1082;
	s9 =	sld [smem:$0x3FB7]  }
0x2f: {  	lr =	sadd.s32 s0, s3;
	s0 =	sld [smem:$0x3FAE]  }
0x30: {  	s3 =	sld [smem:$0x3FB1]  }
0x31: {  	[smem:$0x3FBA] =	sst s10  }
0x32: {  	s10 =	sld [smem:$0x3FB8];
	_ =	sdelay $0x3  }
0x33: {  	p0 =	seq.s32 s10, $0x1;
	s10 =	sld [smem:$0x3FBA];
	_ =	sdelay $0x3  }
0x34: {  	[smem:$0x3FBA] =	sst s10  }
0x35: {  	s10 =	sld [smem:$0x3FB9];
	_ =	sdelay $0x3  }
0x36: {  	p1 =	seq.s32 s10, $0x1;
	s10 =	sld [smem:$0x3FBA];
	_ =	sdelay $0x3  }
0x37: {  	[smem:$0x3FBA] =	sst s10  }
0x38: {  	s10 =	sld [smem:$0x3FBB]  }
0x39: {  	_ = 	snop;
	(pc) =	sbr.ind lr, $3  }
0x3a: {  	_ = 	snop  }
0x3b: {  	_ = 	snop  }
0x3c: {  	p2 =	seq.s32 s10, $0x1;
	s10 =	sld [smem:$0x3FBA]  }
0x3d: {  	_ =	shalt  }
0x3e: {  	_ =	shalt  }
0x3f: {  	_ =	shalt  }
0x40: {  	_ =	shalt  }
0x41: {  	_ =	shalt  }
0x42: {  	_ =	shalt  }
0x43: {  	_ =	shalt  }
0x44: {  	_ =	shalt  }
0x45: {  	_ =	shalt  }
0x46: {  	_ =	shalt  }
0x47: {  	_ =	shalt  }
0x48: {  	_ =	shalt  }
0x49: {  	_ =	shalt  }
0x4a: {  	_ =	shalt  }
0x4b: {  	_ =	shalt  }
0x4c: {  	_ =	shalt  }
0x4d: {  	_ =	shalt  }
0x4e: {  	_ =	shalt  }
0x4f: {  	_ =	shalt  }
0x50: {  	_ =	shalt  }
0x51: {  	_ =	shalt  }
0x52: {  	_ =	shalt  }
0x53: {  	_ =	shalt  }
0x54: {  	_ =	shalt  }
0x55: {  	_ =	shalt  }
0x56: {  	_ =	shalt  }
0x57: {  	_ =	shalt  }
0x58: {  	_ =	shalt  }
0x59: {  	_ =	shalt  }
0x5a: {  	_ =	shalt  }
0x5b: {  	_ =	shalt  }
0x5c: {  	_ =	shalt  }
0x5d: {  	_ =	shalt  }
0x5e: {  	_ =	shalt  }
0x5f: {  	_ =	shalt  }
0x60: {  	_ =	shalt  }
0x61: {  	_ =	shalt  }
0x62: {  	_ =	shalt  }
0x63: {  	_ =	shalt  }
0x64: {  	_ =	shalt  }
0x65: {  	_ =	shalt  }
0x66: {  	_ =	shalt  }
0x67: {  	_ =	shalt  }
0x68: {  	_ =	shalt  }
0x69: {  	_ =	shalt  }
0x6a: {  	_ =	shalt  }
0x6b: {  	_ =	shalt  }
0x6c: {  	_ =	shalt  }
0x6d: {  	_ =	shalt  }
0x6e: {  	_ =	shalt  }
0x6f: {  	_ =	shalt  }
0x70: {  	_ =	shalt  }
0x71: {  	_ =	shalt  }
0x72: {  	_ =	shalt  }
0x73: {  	_ =	shalt  }
0x74: {  	_ =	shalt  }
0x75: {  	_ =	shalt  }
0x76: {  	_ =	shalt  }
0x77: {  	_ =	shalt  }
0x78: {  	_ =	shalt  }
0x79: {  	_ =	shalt  }
0x7a: {  	_ =	shalt  }
0x7b: {  	_ =	shalt  }
0x7c: {  	_ =	shalt  }
0x7d: {  	_ =	shalt  }
0x7e: {  	_ =	shalt  }
0x7f: {  	_ =	shalt  }
0x80: {  	_ =	shalt  }
0x81: {  	_ =	shalt  }
0x82: {  	_ =	shalt  }
0x83: {  	_ =	shalt  }
0x84: {  	_ =	shalt  }
0x85: {  	_ =	shalt  }
0x86: {  	_ =	shalt  }
0x87: {  	_ =	shalt  }
.Lfunc_end0:
.L_simem_size_0:
called_computation_lowered:
.L_overlay_start_0:
0x88: {  	s2 =	sld [smem:$0x3FD9]  }
0x89: {  	s3 =	sld [smem:$0x3FFE];
	_ =	sdelay $0x1  }
0x8a: {  	s1 =	srdreg.scid  }
0x8b: {  	s0 =	sand.u32 $0x1, s1  }
0x8c: {  	s17 =	sshll.u32 s0, $0xA;
	s2 =	sadd.s32 s3, s2  }
0x8d: {  	s2 =	sadd.s32 s2, s17  }
0x8e: {  	[smem:$0x3FC6] =	sst s2  }
0x8f: {  	_ = 	snop  }
0x90: {  	s2 =	sld [smem:$0x3FD0];
	(tm) =	ssettm $0x1  }
0x91: {  	s18 =	sld [smem:$0x3FFB];
	_ =	sdelay $0x3  }
0x92: {  	_ =	strace s18  }
0x93: {  	s3 =	sld [smem:$0x3FFC];
	_ =	sdelay $0x3  }
0x94: {  	_ =	strace s3  }
0x95: {  	s3 =	sld [smem:$0x3FFD];
	_ =	sdelay $0x3  }
0x96: {  	_ =	strace s3  }
0x97: {  	_ =	strace $0x8FFFFFFF  }
0x98: {  	s19 =	sld [smem:$0x3FDB];
	_ =	sdelay $0x1  }
0x99: {  	s4 =	simm.s32 $_scs_section_size  }
0x9a: {  	s5 =	simm.s32 $_size__tile_overlayer_lowered;
	s6 =	simm.s32 $_tile_overlayer_lowered  }
0x9b: {  	s22 =	simm.s32 $0x1BFF;
	s21 =	sshll.u32 s6, $0x1;
	s3 =	sadd.s32 s4, s19  }
0x9c: {  	s7 =	simm.s32 $0x0;
	s20 =	sshll.u32 s5, $0x1;
	s5 =	sadd.s32 s21, s3  }
0x9d: {  	[timem:s7], [sflag:s22] =	dma.local [hbm:s5], s20  }
0x9e: {  	_ =	swait.ge [sflag:s22], s20  }
0x9f: {  	s4 =	ssub.s32 $0x0, s20;
	[sflag:s22] =	ssyncset.done $0x0  }
0xa0: {  	[sflag:s22] =	ssyncadd.s32 s4;
	_ =	sdelay $0x1  }
0xa1: {  	s23 =	simm.s32 $0x1B8B  }
0xa2: {  	_ =	swait.ge [sflag:s23], $0x1  }
0xa3: {  	[sflag:s23] =	ssyncset.done $0x0  }
0xa4: {  	s25 =	simm.s32 $0x1B8E;
	s24 =	sld [smem:$0x3FFE];
	[sflag:s23] =	ssyncadd.s32 $0xFFFFFFFF  }
0xa5: {  	s26 =	simm.s32 $execute0_lowered;
	[smem:$0x3FD2] =	sst s25  }
0xa6: {  	s5 =	sshll.u32 s26, $0x1;
	_ =	strace $0x80000046;
	[dreg:$0x1] =	wrdreg $0xFFFFFFFF  }
0xa7: {  	s28 =	simm.s32 $_size_execute0_lowered;
	s3 =	sadd.s32 s3, s5;
	[dreg:$0x0] =	wrdreg $0x0  }
0xa8: {  	s5 =	sshll.u32 s28, $0x1;
	[dreg:$0x2] =	wrdreg s3  }
0xa9: {  	[dreg:$0x3] =	wrdreg s5  }
0xaa: {  	[dreg:$0x4] =	wrdreg $0xC0  }
0xab: {  	_ =	task [dreg:s7], $0x5FFFF  }
0xac: {  	[dreg:$0x1] =	wrdreg $0xFFFFFFFF  }
0xad: {  	[dreg:$0x0] =	wrdreg $0x60  }
0xae: {  	[dreg:$0x2] =	wrdreg s24  }
0xaf: {  	[dreg:$0x3] =	wrdreg s2  }
0xb0: {  	[dreg:$0x4] =	wrdreg $0x9  }
0xb1: {  	_ =	task.clear_ibuf [dreg:s7], $0x5FFFF;
	_ =	strace $0x90000046  }
0xb2: {  	s29 =	simm.s32 $0x9;
	_ =	strace $0x80000048  }
0xb3: {  	_ =	swait.ge [sflag:s29], $0x1  }
0xb4: {  	[sflag:s29] =	ssyncadd.s32 $0xFFFFFFFF  }
0xb5: {  	_ =	strace $0x90000048  }
0xb6: {  	_ =	sfence  }
0xb7: {  	s30 =	sld [smem:$0x0];
	_ =	sdelay $0x2  }
0xb8: {  	s31 =	sshll.u32 s1, $0xD;
	s1 =	sshrl.u32 s1, $0x2  }
0xb9: {  	s3 =	sand.u32 $0x4000, s31;
	s1 =	sadd.s32 s1, s30  }
0xba: {  	s0 =	sor.u32 s3, s0;
	s1 =	sshll.u32 s1, $0x11  }
0xbb: {  	s0 =	sor.u32 s1, s0  }
0xbc: {  	s0 =	sadd.s32 $0x8F2B, s0  }
0xbd: {  	[sflag:s0] =	ssyncadd.remote.s32 $0x1  }
0xbe: {  	_ =	sfence.sel $0xFFFF  }
0xbf: {  	[dreg:$0x0] =	wrdreg $0xFFFFFFFF;
	(pc) =	sbr.abs _section_cstart, $3  }
0xc0: {  	[dreg:$0x1] =	wrdreg $0xFFFFFFFF  }
0xc1: {  	_ =	task.clear_ibuf [dreg:s7], $0x2FFFF;
	_ =	strace $0x9FFFFFFF  }
0xc2: {  	(tm) =	ssettm $0x7FFFFFFF  }
0xc3: {  	_ =	shalt  }
tec
execute0_lowered:
.L_overlay_start_1:
0x0: {  	(tag) =	ssettag $0x1  }
0x1: {  	s0 =	srdreg.scid;
	s3 =	rddreg [dreg:$0x0]  }
0x2: {  	s8 =	stileid.u32;
	s14 =	rddreg [dreg:$0x1];
	s2 =	simm.s32 $0x0  }
0x3: {  	s20 =	simm.s32 $0x6;
	s21 =	simm.s32 $0x1C00;
	s22 =	simm.s32 $0x5C00  }
0x4: {  	s28 =	simm.s32 $0x11C00;
	s29 =	simm.s32 $0x3;
	s30 =	simm.s32 $0x4  }
0x5: {  	s0 =	sand.u32 $0x1, s0;
	s1 =	sshll.u32 s8, $0x1;
	s10 =	smul.u32 $0x3200, s8  }
0x6: {  	s1 =	sor.u32 s0, s1;
	s23 =	ssub.s32 $0x2, s0;
	s0 =	smul.u32 $0x1900, s0  }
0x7: {  	s31 =	simm.s32 $0x5;
	[smem:$0x7FF] =	sst s2;
	s4 =	smul.u32 $0x380, s1  }
0x8: {  	_ =	strace $0x80000047;
	s5 =	smul.u32 $0xC8000, s1;
	s6 =	sshrl.u32 s23, $0x1  }
0x9: {  	s1 =	smul.u32 $0x48000, s1;
	s15 =	ssub.s32 s23, s6;
	s0 =	sadd.s32 s0, s10  }
0xa: {  	s23 =	simm.s32 $0x9C00;
	s3 =	sadd.s32 s4, s3;
	s7 =	sand.u32 $0x1F80000, s5  }
0xb: {  	s1 =	sand.u32 $0x78000, s1;
	s24 =	sshrl.u32 s5, $0x3;
	s0 =	sshll.u32 s0, $0x4  }
0xc: {  	s3 =	sadd.s32 $0x400, s3;
	s1 =	sor.u32 s1, s7;
	s25 =	sadd.s32 s14, s24  }
0xd: {  	s0 =	sadd.s32 s14, s0;
	s24 =	simm.s32 $0x1;
	[dreg:$0x3] =	wrdreg s3  }
0xe: {  	s1 =	sshrl.u32 s1, $0x3;
	s6 =	sadd.s32 $0x1000, s25;
	s7 =	sadd.s32 $0x1800, s25  }
0xf: {  	s8 =	sadd.s32 $0x2000, s25;
	s9 =	sadd.s32 $0x16800, s25;
	s10 =	sadd.s32 $0x17000, s25  }
0x10: {  	s11 =	sadd.s32 $0x17800, s25;
	s12 =	sadd.s32 $0x18000, s25;
	s13 =	sadd.s32 $0x18800, s25  }
0x11: {  	s16 =	sadd.s32 $0x4000, s0;
	s17 =	sadd.s32 $0x3800, s0;
	s18 =	sadd.s32 $0x3000, s0  }
0x12: {  	s19 =	sadd.s32 $0x2800, s0;
	s25 =	simm.s32 $0xDC00;
	s4 =	sadd.s32 s14, s1  }
0x13: {  	s14 =	smax.u32 s15, $0x1;
	s15 =	sadd.s32 $0x4800, s0;
	s26 =	sadd.s32 $0x800, s4  }
0x14: {  	s1 =	simm.s32 $0x0;
	[dreg:$0x4] =	wrdreg s26;
	s26 =	simm.s32 $0x2  }
.LBB2_1:
0x15: {  	s0 =	rddreg [dreg:$0x3]  }
0x16: {  	[tilespmem:s2], [sflag:$0x6] =	stream.linear.gather [hbm4b:s0+s2], $0x1900, $0x38;
	[tilespmem:$0x15C00] =	vst v63  }
0x17: {  	_ =	swait.ge [sflag:s20], $0x1900  }
0x18: {  	[sflag:s20] =	ssyncset.done $0x0  }
0x19: {  	[sflag:s20] =	ssyncadd.s32 $0xFFFFE700  }
0x1a: {  	[hbm4b:s4+s2] =	stream.linear.scatter [tilespmem:s21], [sflag:$0x1], $0x4000, $0x38;
	[tilespmem:$0x15C00] =	vst v63  }
0x1b: {  	s5 =	rddreg [dreg:$0x4]  }
0x1c: {  	[hbm4b:s5+s2] =	stream.linear.scatter [tilespmem:s22], [sflag:$0x2], $0x4000, $0x38;
	[tilespmem:$0x15C00] =	vst v63  }
0x1d: {  	_ = 	snop  }
0x1e: {  	[hbm4b:s6+s2] =	stream.linear.scatter [tilespmem:s23], [sflag:$0x3], $0x4000, $0x38;
	[tilespmem:$0x15C00] =	vst v63  }
0x1f: {  	_ =	swait.ge [sflag:s24], $0x4000  }
0x20: {  	[sflag:s24] =	ssyncset.done $0x0  }
0x21: {  	[sflag:s24] =	ssyncadd.s32 $0xFFFFC000  }
0x22: {  	[hbm4b:s7+s2] =	stream.linear.scatter [tilespmem:s25], [sflag:$0x4], $0x4000, $0x38;
	[tilespmem:$0x15C00] =	vst v63  }
0x23: {  	_ =	swait.ge [sflag:s26], $0x4000  }
0x24: {  	[sflag:s26] =	ssyncset.done $0x0  }
0x25: {  	[sflag:s26] =	ssyncadd.s32 $0xFFFFC000  }
0x26: {  	[hbm4b:s8+s2] =	stream.linear.scatter [tilespmem:s28], [sflag:$0x5], $0x4000, $0x38;
	[tilespmem:$0x15C00] =	vst v63  }
0x27: {  	_ =	swait.ge [sflag:s29], $0x4000  }
0x28: {  	[sflag:s29] =	ssyncset.done $0x0  }
0x29: {  	s3 =	sadd.s32 $0x0, s19;
	[sflag:s29] =	ssyncadd.s32 $0xFFFFC000  }
0x2a: {  	[hbm4b:s3+s2] =	stream.linear.scatter [tilespmem:s21], [sflag:$0x1], $0x4000, $0x38;
	[tilespmem:$0x15C00] =	vst v63  }
0x2b: {  	_ =	swait.ge [sflag:s30], $0x4000  }
0x2c: {  	[sflag:s30] =	ssyncset.done $0x0  }
0x2d: {  	s5 =	sadd.s32 $0x0, s18;
	[sflag:s30] =	ssyncadd.s32 $0xFFFFC000  }
0x2e: {  	[hbm4b:s5+s2] =	stream.linear.scatter [tilespmem:s22], [sflag:$0x2], $0x4000, $0x38;
	[tilespmem:$0x15C00] =	vst v63  }
0x2f: {  	_ =	swait.ge [sflag:s31], $0x4000  }
0x30: {  	[sflag:s31] =	ssyncset.done $0x0  }
0x31: {  	s3 =	sadd.s32 $0x0, s17;
	[sflag:s31] =	ssyncadd.s32 $0xFFFFC000  }
0x32: {  	[hbm4b:s3+s2] =	stream.linear.scatter [tilespmem:s23], [sflag:$0x3], $0x4000, $0x38;
	[tilespmem:$0x15C00] =	vst v63  }
0x33: {  	_ =	swait.ge [sflag:s24], $0x4000  }
0x34: {  	[sflag:s24] =	ssyncset.done $0x0  }
0x35: {  	s5 =	sadd.s32 $0x0, s16;
	[sflag:s24] =	ssyncadd.s32 $0xFFFFC000  }
0x36: {  	[hbm4b:s5+s2] =	stream.linear.scatter [tilespmem:s25], [sflag:$0x4], $0x4000, $0x38;
	[tilespmem:$0x15C00] =	vst v63  }
0x37: {  	_ =	swait.ge [sflag:s26], $0x4000  }
0x38: {  	[sflag:s26] =	ssyncset.done $0x0  }
0x39: {  	s0 =	simm.s32 $0x2800;
	s3 =	sadd.s32 $0x0, s15;
	[sflag:s26] =	ssyncadd.s32 $0xFFFFC000  }
.LBB2_2:
0x3a: {  	[hbm4b:s3+s2] =	stream.linear.scatter [tilespmem:s28], [sflag:$0x5], $0x4000, $0x38;
	[tilespmem:$0x15C00] =	vst v63  }
0x3b: {  	s3 =	smov.u32 s0  }
0x3c: {  	p0 =	sne.s32 s0, $0x11800;
	s0 =	sadd.s32 $0x2800, s0;
	_ =	swait.ge [sflag:s29], $0x4000  }
0x3d: {  	[sflag:s29] =	ssyncset.done $0x0  }
0x3e: {  	s5 =	sadd.s32 s3, s19;
	[sflag:s29] =	ssyncadd.s32 $0xFFFFC000  }
0x3f: {  	[hbm4b:s5+s2] =	stream.linear.scatter [tilespmem:s21], [sflag:$0x1], $0x4000, $0x38;
	[tilespmem:$0x15C00] =	vst v63  }
0x40: {  	_ =	swait.ge [sflag:s30], $0x4000  }
0x41: {  	[sflag:s30] =	ssyncset.done $0x0  }
0x42: {  	s5 =	sadd.s32 s3, s18;
	[sflag:s30] =	ssyncadd.s32 $0xFFFFC000  }
0x43: {  	[hbm4b:s5+s2] =	stream.linear.scatter [tilespmem:s22], [sflag:$0x2], $0x4000, $0x38;
	[tilespmem:$0x15C00] =	vst v63  }
0x44: {  	_ =	swait.ge [sflag:s31], $0x4000  }
0x45: {  	[sflag:s31] =	ssyncset.done $0x0  }
0x46: {  	s5 =	sadd.s32 s3, s17;
	[sflag:s31] =	ssyncadd.s32 $0xFFFFC000  }
0x47: {  	[hbm4b:s5+s2] =	stream.linear.scatter [tilespmem:s23], [sflag:$0x3], $0x4000, $0x38;
	[tilespmem:$0x15C00] =	vst v63  }
0x48: {  	_ =	swait.ge [sflag:s24], $0x4000  }
0x49: {  	[sflag:s24] =	ssyncset.done $0x0  }
.Ltmp0:
0x4a: {  	s5 =	sadd.s32 s3, s16;
	[sflag:s24] =	ssyncadd.s32 $0xFFFFC000;
	(pc) =	sbr.rel @p0 .LBB2_2-.Ltmp0, $4  }
0x4b: {  	[hbm4b:s5+s2] =	stream.linear.scatter [tilespmem:s25], [sflag:$0x4], $0x4000, $0x38;
	[tilespmem:$0x15C00] =	vst v63  }
0x4c: {  	_ =	swait.ge [sflag:s26], $0x4000  }
0x4d: {  	[sflag:s26] =	ssyncset.done $0x0  }
0x4e: {  	s3 =	sadd.s32 s3, s15;
	[sflag:s26] =	ssyncadd.s32 $0xFFFFC000  }
0x4f: {  	[hbm4b:s3+s2] =	stream.linear.scatter [tilespmem:s28], [sflag:$0x5], $0x4000, $0x38;
	[tilespmem:$0x15C00] =	vst v63  }
0x50: {  	_ =	swait.ge [sflag:s29], $0x4000  }
0x51: {  	[sflag:s29] =	ssyncset.done $0x0  }
0x52: {  	[sflag:s29] =	ssyncadd.s32 $0xFFFFC000  }
0x53: {  	[hbm4b:s9+s2] =	stream.linear.scatter [tilespmem:s21], [sflag:$0x1], $0x4000, $0x38;
	[tilespmem:$0x15C00] =	vst v63  }
0x54: {  	_ =	swait.ge [sflag:s30], $0x4000  }
0x55: {  	[sflag:s30] =	ssyncset.done $0x0  }
0x56: {  	[sflag:s30] =	ssyncadd.s32 $0xFFFFC000  }
0x57: {  	[hbm4b:s10+s2] =	stream.linear.scatter [tilespmem:s22], [sflag:$0x2], $0x4000, $0x38;
	[tilespmem:$0x15C00] =	vst v63  }
0x58: {  	_ =	swait.ge [sflag:s31], $0x4000  }
0x59: {  	[sflag:s31] =	ssyncset.done $0x0  }
0x5a: {  	[sflag:s31] =	ssyncadd.s32 $0xFFFFC000  }
0x5b: {  	[hbm4b:s11+s2] =	stream.linear.scatter [tilespmem:s23], [sflag:$0x3], $0x4000, $0x38;
	[tilespmem:$0x15C00] =	vst v63  }
0x5c: {  	_ =	swait.ge [sflag:s24], $0x4000  }
0x5d: {  	[sflag:s24] =	ssyncset.done $0x0  }
0x5e: {  	[sflag:s24] =	ssyncadd.s32 $0xFFFFC000  }
0x5f: {  	[hbm4b:s12+s2] =	stream.linear.scatter [tilespmem:s25], [sflag:$0x4], $0x4000, $0x38;
	[tilespmem:$0x15C00] =	vst v63  }
0x60: {  	_ =	swait.ge [sflag:s26], $0x4000  }
0x61: {  	[sflag:s26] =	ssyncset.done $0x0  }
0x62: {  	[sflag:s26] =	ssyncadd.s32 $0xFFFFC000  }
0x63: {  	[hbm4b:s13+s2] =	stream.linear.scatter [tilespmem:s28], [sflag:$0x5], $0x4000, $0x38;
	[tilespmem:$0x15C00] =	vst v63  }
0x64: {  	_ =	swait.ge [sflag:s29], $0x4000  }
0x65: {  	[sflag:s29] =	ssyncset.done $0x0  }
0x66: {  	s1 =	sadd.s32 $0x1, s1;
	[sflag:s29] =	ssyncadd.s32 $0xFFFFC000  }
0x67: {  	p0 =	sne.s32 s1, s14;
	_ =	swait.ge [sflag:s30], $0x4000  }
.Ltmp1:
0x68: {  	[sflag:s30] =	ssyncset.done $0x0;
	(pc) =	sbr.rel @p0 .LBB2_1-.Ltmp1, $4  }
0x69: {  	[sflag:s30] =	ssyncadd.s32 $0xFFFFC000  }
0x6a: {  	_ =	swait.ge [sflag:s31], $0x4000  }
0x6b: {  	[sflag:s31] =	ssyncset.done $0x0  }
0x6c: {  	[sflag:s31] =	ssyncadd.s32 $0xFFFFC000  }
0x6d: {  	_ =	sfence.sel $0x180000  }
0x6e: {  	[bflag:$0x0] =	sbarrier.arrive $0xFFFF  }
0x6f: {  	_ =	strace $0x90000047  }
0x70: {  	s0 =	stileid.u32;
	[bflag:$0x2] =	sbarrier.arrive $0xFFFF  }
0x71: {  	p0 =	sne.s32 s0, $0x0;
	s0 =	rddreg [dreg:$0x2]  }
0x72: {  	s0 =	sadd.s32 @!p0 $0x100000, s0  }
0x73: {  	[sflag:s0] =	ssyncadd.tile.s32 @!p0 $0x1;
	_ =	shalt  }
.Lfunc_end2:
_tile_overlayer_lowered:
.L_overlay_start_2:
0x74: {  	(tag) =	ssettag $0x2  }
0x75: {  	s0 =	rddreg [dreg:$0x0];
	s2 =	stileid.u32  }
0x76: {  	s1 =	rddreg [dreg:$0x1];
	p0 =	sne.s32 s2, $0x0  }
0x77: {  	s3 =	rddreg [dreg:$0x2];
	[bflag:$0x3] =	sbarrier.arrive $0xFFFF;
	s2 =	simm.s32 @!p0 $0x1C06  }
0x78: {  	[timem:s3], [sflag:s2] =	dma.local @!p0 [hbm:s0], s1  }
0x79: {  	s0 =	simm.s32 @!p0 $0x6  }
0x7a: {  	_ =	swait.ge @!p0 [sflag:s0], s1  }
0x7b: {  	s1 =	ssub.s32 @!p0 $0x0, s1;
	[sflag:s0] =	ssyncset.done @!p0 $0x0  }
0x7c: {  	[sflag:s0] =	ssyncadd.s32 @!p0 s1  }
0x7d: {  	[bflag:$0x3] =	sbarrier.arrive $0xFFFF  }
0x7e: {  	_ =	shalt  }

</sc_bundles>
